<compile_context>
chip_gen: v7x
topology: tpu7x:2x2x1
jax: 0.10.2.dev20260603
libtpu: 0.0.44.dev20260713+nightly
codegen_flags: <defaults>
</compile_context>

<pallas_src>
import functools

import jax
import jax.numpy as jnp
from jax import lax
from jax.experimental import pallas as pl
from jax.experimental.pallas import tpu as pltpu
from jax.experimental.pallas import tpu_sc as plsc

_DIM = 128
_N = 32
_NE = 2048
_NW = 16
_EPW = _NE // _NW
_F32 = jnp.float32
_I32 = jnp.int32


def _sc_counts_body(es_hbm, ed_hbm, ef_hbm, a_out, f_out,
                    es_v, ed_v, ef_v, a_v, f_v, sem):
    wid = lax.axis_index("s")
    base = wid * _EPW
    c1 = pltpu.async_copy(es_hbm.at[pl.ds(base, _EPW)], es_v, sem)
    c2 = pltpu.async_copy(ed_hbm.at[pl.ds(base, _EPW)], ed_v, sem)
    c3 = pltpu.async_copy(ef_hbm.at[pl.ds(base, _EPW)], ef_v, sem)

    zeros16 = jnp.zeros((16,), _I32)
    for r in range(_N):
        a_v[r, pl.ds(0, 16)] = zeros16
        a_v[r, pl.ds(16, 16)] = zeros16
        f_v[r, pl.ds(0, 16)] = zeros16
    c1.wait()
    c2.wait()
    c3.wait()

    ones16 = jnp.ones((16,), _I32)
    for g in range(_EPW // 16):
        s16 = es_v[pl.ds(g * 16, 16)]
        d16 = ed_v[pl.ds(g * 16, 16)]
        k16 = ef_v[pl.ds(g * 16, 16)]
        ok = (s16 < _N) & (d16 < _N)
        ss = jnp.where(ok, s16, 0)
        dd = jnp.where(ok, d16, 0)
        plsc.addupdate_scatter(a_v, [dd, ss], ones16, mask=ok)
        plsc.addupdate_scatter(f_v, [dd, k16], ones16, mask=ok)

    o1 = pltpu.async_copy(a_v, a_out.at[wid], sem)
    o2 = pltpu.async_copy(f_v, f_out.at[wid], sem)
    o1.wait()
    o2.wait()


_sc_counts = functools.partial(
    pl.kernel,
    mesh=plsc.VectorSubcoreMesh(core_axis_name="c", subcore_axis_name="s",
                                num_cores=1),
    compiler_params=pltpu.CompilerParams(needs_layout_passes=False),
    out_type=[
        jax.ShapeDtypeStruct((_NW, _N, _N), _I32),
        jax.ShapeDtypeStruct((_NW, _N, 16), _I32),
    ],
    scratch_types=[
        pltpu.VMEM((_EPW,), _I32),
        pltpu.VMEM((_EPW,), _I32),
        pltpu.VMEM((_EPW,), _I32),
        pltpu.VMEM((_N, _N), _I32),
        pltpu.VMEM((_N, 16), _I32),
        pltpu.SemaphoreType.DMA,
    ],
)(_sc_counts_body)


def _xsum(x):
    acc = x[:, 0:8]
    for p in range(1, 16):
        acc = acc + x[:, 8 * p:8 * p + 8]
    for w in (4, 2, 1):
        acc = acc[:, 0:w] + acc[:, w:2 * w]
    return acc


def _layernorm_rows(x, g, b):
    mu = _xsum(x) * (1.0 / 128.0)
    d = x - mu
    var = _xsum(d * d) * (1.0 / 128.0)
    return d / jnp.sqrt(var + 1e-5) * g + b


def _tc_body(a_ref, f_ref, nt_ref, tr_ref,
             ne_w_ref, te_w_ref, efw_ref,
             w_ih_ref, w_hh_ref, b_ih_ref, b_hh_ref, ng_ref, nb_ref,
             W1_ref, b1_ref, g2_ref, bt2_ref, W2_ref, b2_ref, out_ref):
    A = jnp.sum(a_ref[...], axis=0).astype(_F32)
    F = jnp.sum(f_ref[...], axis=0).astype(_F32)
    E = jnp.dot(F[:, 0:6], efw_ref[:],
                preferred_element_type=_F32)
    cnt = jnp.maximum(jnp.sum(A, axis=1, keepdims=True), 1.0)

    nt_c = nt_ref[:]
    tr_c = tr_ref[:]
    oh_nt = (nt_c == lax.broadcasted_iota(_I32, (_N, 20), 1)).astype(_F32)
    oh_tr = (tr_c == lax.broadcasted_iota(_I32, (_N, 6), 1)).astype(_F32)
    h = (jnp.dot(oh_nt, ne_w_ref[:], preferred_element_type=_F32)
         + jnp.dot(oh_tr, te_w_ref[:], preferred_element_type=_F32))

    w_ih = w_ih_ref[:]
    w_hh = w_hh_ref[:]
    b_ih = b_ih_ref[:]
    b_hh = b_hh_ref[:]
    ng = ng_ref[:]
    nb = nb_ref[:]
    nt_dims = (((1,), (1,)), ((), ()))

    for _ in range(5):
        agg = (jnp.dot(A, h, preferred_element_type=_F32) + E) / cnt
        gi = lax.dot_general(agg, w_ih, nt_dims,
                             preferred_element_type=_F32) + b_ih
        gh = lax.dot_general(h, w_hh, nt_dims,
                             preferred_element_type=_F32) + b_hh
        r = jax.nn.sigmoid(gi[:, 0:128] + gh[:, 0:128])
        z = jax.nn.sigmoid(gi[:, 128:256] + gh[:, 128:256])
        n = jnp.tanh(gi[:, 256:384] + r * gh[:, 256:384])
        hn = (1.0 - z) * n + z * h
        h = _layernorm_rows(hn, ng, nb)

    hmean = jnp.mean(h, axis=0, keepdims=True)
    hmax = jnp.max(h, axis=0, keepdims=True)
    pooled = jnp.concatenate([hmean, hmax], axis=1)
    x = lax.dot_general(pooled, W1_ref[:], nt_dims,
                        preferred_element_type=_F32) + b1_ref[:]
    x = _layernorm_rows(x, g2_ref[:], bt2_ref[:])
    x = jnp.maximum(x, 0.0)
    out_row = x * W2_ref[:] + b2_ref[:] * (1.0 / 128.0)
    out_ref[:, :] = jnp.sum(out_row, axis=1, keepdims=True)


def kernel(nt, tr, es, ed, ef, ne_w, te_w, ef_w, w_ih, w_hh, b_ih, b_hh,
           ng, nb, W1, b1, g2, bt2, W2, b2):
    a_part, f_part = _sc_counts(
        es.astype(_I32), ed.astype(_I32), ef.astype(_I32))
    out = pl.pallas_call(
        _tc_body,
        out_shape=jax.ShapeDtypeStruct((1, 1), _F32),
    )(
        a_part, f_part,
        nt.reshape(_N, 1).astype(_I32), tr.reshape(_N, 1).astype(_I32),
        ne_w, te_w, ef_w,
        w_ih, w_hh, b_ih.reshape(1, 3 * _DIM), b_hh.reshape(1, 3 * _DIM),
        ng.reshape(1, _DIM), nb.reshape(1, _DIM),
        W1, b1.reshape(1, _DIM), g2.reshape(1, _DIM), bt2.reshape(1, _DIM),
        W2, jnp.broadcast_to(b2.reshape(1, 1), (1, _DIM)),
    )
    return out.reshape(())

# --- scband reference (transcript-rebuilt; emitter-appended) ---
"""Pipeline reference for scband-detector-30846455120227 (READ-ONLY COPY).

The authoritative reference and input builder live on the scoring server;
editing this copy changes nothing except your own understanding.
"""

import jax, jax.numpy as jnp
import numpy as np

DIM = 128
N_NODES = 32
N_EDGES = 2048


def setup_inputs(seed: int = 0):
    key = jax.random.key(seed)
    ks = jax.random.split(key, 16)
    s = 0.05
    nt = jax.random.randint(ks[0], (N_NODES,), 0, 20)
    tr = jax.random.randint(ks[1], (N_NODES,), 0, 6)
    es = jax.random.randint(ks[2], (N_EDGES,), 0, 32)
    ed = jax.random.randint(ks[3], (N_EDGES,), 0, 32)
    ef = jax.random.randint(ks[4], (N_EDGES,), 0, 6)
    ne_w = jax.random.normal(ks[5], (20, DIM), dtype=jnp.float32)
    te_w = jax.random.normal(ks[6], (6, DIM), dtype=jnp.float32)
    ef_w = jax.random.normal(ks[7], (6, DIM), dtype=jnp.float32)
    w_ih = jax.random.normal(ks[8], (3 * DIM, DIM), dtype=jnp.float32) * s
    w_hh = jax.random.normal(ks[9], (3 * DIM, DIM), dtype=jnp.float32) * s
    b_ih = jax.random.normal(ks[10], (3 * DIM,), dtype=jnp.float32) * s
    b_hh = jax.random.normal(ks[11], (3 * DIM,), dtype=jnp.float32) * s
    ng = jnp.ones((DIM,), dtype=jnp.float32)
    nb = jnp.zeros((DIM,), dtype=jnp.float32)
    W1 = jax.random.normal(ks[12], (DIM, 2 * DIM), dtype=jnp.float32) * s
    b1 = jnp.zeros((DIM,), dtype=jnp.float32)
    g2 = jnp.ones((DIM,), dtype=jnp.float32)
    bt2 = jnp.zeros((DIM,), dtype=jnp.float32)
    W2 = jax.random.normal(ks[13], (1, DIM), dtype=jnp.float32) * s
    b2 = jnp.zeros((1,), dtype=jnp.float32)
    return {
        'nt': nt, 'tr': tr, 'es': es, 'ed': ed, 'ef': ef,
        'ne_w': ne_w, 'te_w': te_w, 'ef_w': ef_w,
        'w_ih': w_ih, 'w_hh': w_hh, 'b_ih': b_ih, 'b_hh': b_hh,
        'ng': ng, 'nb': nb, 'W1': W1, 'b1': b1, 'g2': g2, 'bt2': bt2,
        'W2': W2, 'b2': b2,
    }


def _layernorm(x, g, b):
    mu = x.mean(-1, keepdims=True)
    var = ((x - mu) ** 2).mean(-1, keepdims=True)
    return (x - mu) / jnp.sqrt(var + 1e-5) * g + b


def reference(nt, tr, es, ed, ef, ne_w, te_w, ef_w, w_ih, w_hh, b_ih, b_hh, ng, nb, W1, b1, g2, bt2, W2, b2):
    h = ne_w[nt] + te_w[tr]
    edge_feat = ef_w[ef]
    mask = (ed < 32) & (es < 32)
    maskf = mask.astype(jnp.float32)
    ed_safe = jnp.where(mask, ed, 0)
    es_safe = jnp.where(mask, es, 0)
    for _ in range(5):
        vals = (h[es_safe] + edge_feat) * maskf[:, None]
        agg = jnp.zeros_like(h).at[ed_safe].add(vals)
        cnt = jnp.zeros((32,), dtype=jnp.float32).at[ed_safe].add(maskf)
        cnt = jnp.clip(cnt, 1.0, None)[:, None]
        agg = agg / cnt
        gi = agg @ w_ih.T + b_ih
        gh = h @ w_hh.T + b_hh
        i_r, i_z, i_n = jnp.split(gi, 3, axis=-1)
        h_r, h_z, h_n = jnp.split(gh, 3, axis=-1)
        r = jax.nn.sigmoid(i_r + h_r)
        z = jax.nn.sigmoid(i_z + h_z)
        n = jnp.tanh(i_n + r * h_n)
        hn = (1.0 - z) * n + z * h
        h = _layernorm(hn, ng, nb)
    pooled = jnp.concatenate([h.mean(0), h.max(0)], axis=-1)
    x = pooled @ W1.T + b1
    x = _layernorm(x, g2, bt2)
    x = jax.nn.relu(x)
    out = x @ W2.T + b2
    return out.squeeze(-1)

if __name__ == "__main__":
    import jax
    _d = setup_inputs()
    print(jax.jit(kernel)(*tuple(_d.values())))

</pallas_src>

<mosaic_0001>
#map = affine_map<(d0, d1) -> (0)>
#map1 = affine_map<(d0, d1) -> (0, 0, 0)>
module attributes {stable_mosaic.version = 14 : i64} {
  func.func @_sc_counts_body(%arg0: i32, %arg1: i32, %arg2: memref<2048xi32, #tpu.memory_space<hbm>>, %arg3: memref<2048xi32, #tpu.memory_space<hbm>>, %arg4: memref<2048xi32, #tpu.memory_space<hbm>>, %arg5: memref<16x32x32xi32, #tpu.memory_space<hbm>>, %arg6: memref<16x32x16xi32, #tpu.memory_space<hbm>>, %arg7: memref<128xi32, #tpu.memory_space<vmem>>, %arg8: memref<128xi32, #tpu.memory_space<vmem>>, %arg9: memref<128xi32, #tpu.memory_space<vmem>>, %arg10: memref<32x32xi32, #tpu.memory_space<vmem>>, %arg11: memref<32x16xi32, #tpu.memory_space<vmem>>, %arg12: memref<!tpu.dma_semaphore, #tpu.memory_space<semaphore_mem>>) attributes {dimension_semantics = [#tpu.dimension_semantics<core_parallel>, #tpu.dimension_semantics<subcore_parallel>], iteration_bounds = array<i64: 1, 16>, scalar_prefetch = 0 : i64, scratch_operands = 6 : i64, tpu.core_type = #tpu.core_type<sc_vector_subcore>, window_params = [{transform_indices = #map}, {transform_indices = #map}, {transform_indices = #map}, {transform_indices = #map1}, {transform_indices = #map1}]} {
    %mul3A = arith.constant 128 : i32
    %mul3A_0 = arith.muli %arg1, %mul3A : i32
    %dma_start3A = tpu.memref_slice %arg2[%mul3A_0] : memref<2048xi32, #tpu.memory_space<hbm>> -> memref<128xi32, #tpu.memory_space<hbm>>
    %dma_start3A_1 = tpu.memref_slice %arg2[%mul3A_0] : memref<2048xi32, #tpu.memory_space<hbm>> -> memref<128xi32, #tpu.memory_space<hbm>>
    tpu.enqueue_dma source(%dma_start3A_1 : memref<128xi32, #tpu.memory_space<hbm>>) target(%arg7 : memref<128xi32, #tpu.memory_space<vmem>>) target_semaphore(%arg12 : memref<!tpu.dma_semaphore, #tpu.memory_space<semaphore_mem>>)
    %dma_start3A_2 = tpu.memref_slice %arg3[%mul3A_0] : memref<2048xi32, #tpu.memory_space<hbm>> -> memref<128xi32, #tpu.memory_space<hbm>>
    %dma_start3A_3 = tpu.memref_slice %arg3[%mul3A_0] : memref<2048xi32, #tpu.memory_space<hbm>> -> memref<128xi32, #tpu.memory_space<hbm>>
    tpu.enqueue_dma source(%dma_start3A_3 : memref<128xi32, #tpu.memory_space<hbm>>) target(%arg8 : memref<128xi32, #tpu.memory_space<vmem>>) target_semaphore(%arg12 : memref<!tpu.dma_semaphore, #tpu.memory_space<semaphore_mem>>)
    %dma_start3A_4 = tpu.memref_slice %arg4[%mul3A_0] : memref<2048xi32, #tpu.memory_space<hbm>> -> memref<128xi32, #tpu.memory_space<hbm>>
    %dma_start3A_5 = tpu.memref_slice %arg4[%mul3A_0] : memref<2048xi32, #tpu.memory_space<hbm>> -> memref<128xi32, #tpu.memory_space<hbm>>
    tpu.enqueue_dma source(%dma_start3A_5 : memref<128xi32, #tpu.memory_space<hbm>>) target(%arg9 : memref<128xi32, #tpu.memory_space<vmem>>) target_semaphore(%arg12 : memref<!tpu.dma_semaphore, #tpu.memory_space<semaphore_mem>>)
    %broadcast_in_dim3A = arith.constant 0 : i32
    %broadcast_in_dim3A_6 = vector.broadcast %broadcast_in_dim3A : i32 to vector<16xi32>
    %swap3A = arith.constant 0 : i32
    %swap3A_7 = arith.index_cast %swap3A : i32 to index
    %swap3A_8 = arith.constant 0 : index
    %swap3A_9 = tpu.vector_load %arg10[%swap3A_7, %swap3A_8] {strides = array<i32>} : memref<32x32xi32, #tpu.memory_space<vmem>>, vector<16xi32>,
    tpu.vector_store %arg10[%swap3A_7, %swap3A_8], %broadcast_in_dim3A_6 {strides = array<i32>} : memref<32x32xi32, #tpu.memory_space<vmem>>, vector<16xi32>,
    %swap3A_10 = arith.constant 0 : i32
    %swap3A_11 = arith.index_cast %swap3A_10 : i32 to index
    %swap3A_12 = arith.constant 16 : index
    %swap3A_13 = tpu.vector_load %arg10[%swap3A_11, %swap3A_12] {strides = array<i32>} : memref<32x32xi32, #tpu.memory_space<vmem>>, vector<16xi32>,
    tpu.vector_store %arg10[%swap3A_11, %swap3A_12], %broadcast_in_dim3A_6 {strides = array<i32>} : memref<32x32xi32, #tpu.memory_space<vmem>>, vector<16xi32>,
    %swap3A_14 = arith.constant 0 : i32
    %swap3A_15 = arith.index_cast %swap3A_14 : i32 to index
    %swap3A_16 = arith.constant 0 : index
    %swap3A_17 = tpu.vector_load %arg11[%swap3A_15, %swap3A_16] {strides = array<i32>} : memref<32x16xi32, #tpu.memory_space<vmem>>, vector<16xi32>,
    tpu.vector_store %arg11[%swap3A_15, %swap3A_16], %broadcast_in_dim3A_6 {strides = array<i32>} : memref<32x16xi32, #tpu.memory_space<vmem>>, vector<16xi32>,
    %swap3A_18 = arith.constant 1 : i32
    %swap3A_19 = arith.index_cast %swap3A_18 : i32 to index
    %swap3A_20 = arith.constant 0 : index
    %swap3A_21 = tpu.vector_load %arg10[%swap3A_19, %swap3A_20] {strides = array<i32>} : memref<32x32xi32, #tpu.memory_space<vmem>>, vector<16xi32>,
    tpu.vector_store %arg10[%swap3A_19, %swap3A_20], %broadcast_in_dim3A_6 {strides = array<i32>} : memref<32x32xi32, #tpu.memory_space<vmem>>, vector<16xi32>,
    %swap3A_22 = arith.constant 1 : i32
    %swap3A_23 = arith.index_cast %swap3A_22 : i32 to index
    %swap3A_24 = arith.constant 16 : index
    %swap3A_25 = tpu.vector_load %arg10[%swap3A_23, %swap3A_24] {strides = array<i32>} : memref<32x32xi32, #tpu.memory_space<vmem>>, vector<16xi32>,
    tpu.vector_store %arg10[%swap3A_23, %swap3A_24], %broadcast_in_dim3A_6 {strides = array<i32>} : memref<32x32xi32, #tpu.memory_space<vmem>>, vector<16xi32>,
    %swap3A_26 = arith.constant 1 : i32
    %swap3A_27 = arith.index_cast %swap3A_26 : i32 to index
    %swap3A_28 = arith.constant 0 : index
    %swap3A_29 = tpu.vector_load %arg11[%swap3A_27, %swap3A_28] {strides = array<i32>} : memref<32x16xi32, #tpu.memory_space<vmem>>, vector<16xi32>,
    tpu.vector_store %arg11[%swap3A_27, %swap3A_28], %broadcast_in_dim3A_6 {strides = array<i32>} : memref<32x16xi32, #tpu.memory_space<vmem>>, vector<16xi32>,
    %swap3A_30 = arith.constant 2 : i32
    %swap3A_31 = arith.index_cast %swap3A_30 : i32 to index
    %swap3A_32 = arith.constant 0 : index
    %swap3A_33 = tpu.vector_load %arg10[%swap3A_31, %swap3A_32] {strides = array<i32>} : memref<32x32xi32, #tpu.memory_space<vmem>>, vector<16xi32>,
    tpu.vector_store %arg10[%swap3A_31, %swap3A_32], %broadcast_in_dim3A_6 {strides = array<i32>} : memref<32x32xi32, #tpu.memory_space<vmem>>, vector<16xi32>,
    %swap3A_34 = arith.constant 2 : i32
    %swap3A_35 = arith.index_cast %swap3A_34 : i32 to index
    %swap3A_36 = arith.constant 16 : index
    %swap3A_37 = tpu.vector_load %arg10[%swap3A_35, %swap3A_36] {strides = array<i32>} : memref<32x32xi32, #tpu.memory_space<vmem>>, vector<16xi32>,
    tpu.vector_store %arg10[%swap3A_35, %swap3A_36], %broadcast_in_dim3A_6 {strides = array<i32>} : memref<32x32xi32, #tpu.memory_space<vmem>>, vector<16xi32>,
    %swap3A_38 = arith.constant 2 : i32
    %swap3A_39 = arith.index_cast %swap3A_38 : i32 to index
    %swap3A_40 = arith.constant 0 : index
    %swap3A_41 = tpu.vector_load %arg11[%swap3A_39, %swap3A_40] {strides = array<i32>} : memref<32x16xi32, #tpu.memory_space<vmem>>, vector<16xi32>,
    tpu.vector_store %arg11[%swap3A_39, %swap3A_40], %broadcast_in_dim3A_6 {strides = array<i32>} : memref<32x16xi32, #tpu.memory_space<vmem>>, vector<16xi32>,
    %swap3A_42 = arith.constant 3 : i32
    %swap3A_43 = arith.index_cast %swap3A_42 : i32 to index
    %swap3A_44 = arith.constant 0 : index
    %swap3A_45 = tpu.vector_load %arg10[%swap3A_43, %swap3A_44] {strides = array<i32>} : memref<32x32xi32, #tpu.memory_space<vmem>>, vector<16xi32>,
    tpu.vector_store %arg10[%swap3A_43, %swap3A_44], %broadcast_in_dim3A_6 {strides = array<i32>} : memref<32x32xi32, #tpu.memory_space<vmem>>, vector<16xi32>,
    %swap3A_46 = arith.constant 3 : i32
    %swap3A_47 = arith.index_cast %swap3A_46 : i32 to index
    %swap3A_48 = arith.constant 16 : index
    %swap3A_49 = tpu.vector_load %arg10[%swap3A_47, %swap3A_48] {strides = array<i32>} : memref<32x32xi32, #tpu.memory_space<vmem>>, vector<16xi32>,
    tpu.vector_store %arg10[%swap3A_47, %swap3A_48], %broadcast_in_dim3A_6 {strides = array<i32>} : memref<32x32xi32, #tpu.memory_space<vmem>>, vector<16xi32>,
    %swap3A_50 = arith.constant 3 : i32
    %swap3A_51 = arith.index_cast %swap3A_50 : i32 to index
    %swap3A_52 = arith.constant 0 : index
    %swap3A_53 = tpu.vector_load %arg11[%swap3A_51, %swap3A_52] {strides = array<i32>} : memref<32x16xi32, #tpu.memory_space<vmem>>, vector<16xi32>,
    tpu.vector_store %arg11[%swap3A_51, %swap3A_52], %broadcast_in_dim3A_6 {strides = array<i32>} : memref<32x16xi32, #tpu.memory_space<vmem>>, vector<16xi32>,
    %swap3A_54 = arith.constant 4 : i32
    %swap3A_55 = arith.index_cast %swap3A_54 : i32 to index
    %swap3A_56 = arith.constant 0 : index
    %swap3A_57 = tpu.vector_load %arg10[%swap3A_55, %swap3A_56] {strides = array<i32>} : memref<32x32xi32, #tpu.memory_space<vmem>>, vector<16xi32>,
    tpu.vector_store %arg10[%swap3A_55, %swap3A_56], %broadcast_in_dim3A_6 {strides = array<i32>} : memref<32x32xi32, #tpu.memory_space<vmem>>, vector<16xi32>,
    %swap3A_58 = arith.constant 4 : i32
    %swap3A_59 = arith.index_cast %swap3A_58 : i32 to index
    %swap3A_60 = arith.constant 16 : index
    %swap3A_61 = tpu.vector_load %arg10[%swap3A_59, %swap3A_60] {strides = array<i32>} : memref<32x32xi32, #tpu.memory_space<vmem>>, vector<16xi32>,
    tpu.vector_store %arg10[%swap3A_59, %swap3A_60], %broadcast_in_dim3A_6 {strides = array<i32>} : memref<32x32xi32, #tpu.memory_space<vmem>>, vector<16xi32>,
    %swap3A_62 = arith.constant 4 : i32
    %swap3A_63 = arith.index_cast %swap3A_62 : i32 to index
    %swap3A_64 = arith.constant 0 : index
    %swap3A_65 = tpu.vector_load %arg11[%swap3A_63, %swap3A_64] {strides = array<i32>} : memref<32x16xi32, #tpu.memory_space<vmem>>, vector<16xi32>,
    tpu.vector_store %arg11[%swap3A_63, %swap3A_64], %broadcast_in_dim3A_6 {strides = array<i32>} : memref<32x16xi32, #tpu.memory_space<vmem>>, vector<16xi32>,
    %swap3A_66 = arith.constant 5 : i32
    %swap3A_67 = arith.index_cast %swap3A_66 : i32 to index
    %swap3A_68 = arith.constant 0 : index
    %swap3A_69 = tpu.vector_load %arg10[%swap3A_67, %swap3A_68] {strides = array<i32>} : memref<32x32xi32, #tpu.memory_space<vmem>>, vector<16xi32>,
    tpu.vector_store %arg10[%swap3A_67, %swap3A_68], %broadcast_in_dim3A_6 {strides = array<i32>} : memref<32x32xi32, #tpu.memory_space<vmem>>, vector<16xi32>,
    %swap3A_70 = arith.constant 5 : i32
    %swap3A_71 = arith.index_cast %swap3A_70 : i32 to index
    %swap3A_72 = arith.constant 16 : index
    %swap3A_73 = tpu.vector_load %arg10[%swap3A_71, %swap3A_72] {strides = array<i32>} : memref<32x32xi32, #tpu.memory_space<vmem>>, vector<16xi32>,
    tpu.vector_store %arg10[%swap3A_71, %swap3A_72], %broadcast_in_dim3A_6 {strides = array<i32>} : memref<32x32xi32, #tpu.memory_space<vmem>>, vector<16xi32>,
    %swap3A_74 = arith.constant 5 : i32
    %swap3A_75 = arith.index_cast %swap3A_74 : i32 to index
    %swap3A_76 = arith.constant 0 : index
    %swap3A_77 = tpu.vector_load %arg11[%swap3A_75, %swap3A_76] {strides = array<i32>} : memref<32x16xi32, #tpu.memory_space<vmem>>, vector<16xi32>,
    tpu.vector_store %arg11[%swap3A_75, %swap3A_76], %broadcast_in_dim3A_6 {strides = array<i32>} : memref<32x16xi32, #tpu.memory_space<vmem>>, vector<16xi32>,
    %swap3A_78 = arith.constant 6 : i32
    %swap3A_79 = arith.index_cast %swap3A_78 : i32 to index
    %swap3A_80 = arith.constant 0 : index
    %swap3A_81 = tpu.vector_load %arg10[%swap3A_79, %swap3A_80] {strides = array<i32>} : memref<32x32xi32, #tpu.memory_space<vmem>>, vector<16xi32>,
    tpu.vector_store %arg10[%swap3A_79, %swap3A_80], %broadcast_in_dim3A_6 {strides = array<i32>} : memref<32x32xi32, #tpu.memory_space<vmem>>, vector<16xi32>,
    %swap3A_82 = arith.constant 6 : i32
    %swap3A_83 = arith.index_cast %swap3A_82 : i32 to index
    %swap3A_84 = arith.constant 16 : index
    %swap3A_85 = tpu.vector_load %arg10[%swap3A_83, %swap3A_84] {strides = array<i32>} : memref<32x32xi32, #tpu.memory_space<vmem>>, vector<16xi32>,
    tpu.vector_store %arg10[%swap3A_83, %swap3A_84], %broadcast_in_dim3A_6 {strides = array<i32>} : memref<32x32xi32, #tpu.memory_space<vmem>>, vector<16xi32>,
    %swap3A_86 = arith.constant 6 : i32
    %swap3A_87 = arith.index_cast %swap3A_86 : i32 to index
    %swap3A_88 = arith.constant 0 : index
    %swap3A_89 = tpu.vector_load %arg11[%swap3A_87, %swap3A_88] {strides = array<i32>} : memref<32x16xi32, #tpu.memory_space<vmem>>, vector<16xi32>,
    tpu.vector_store %arg11[%swap3A_87, %swap3A_88], %broadcast_in_dim3A_6 {strides = array<i32>} : memref<32x16xi32, #tpu.memory_space<vmem>>, vector<16xi32>,
    %swap3A_90 = arith.constant 7 : i32
    %swap3A_91 = arith.index_cast %swap3A_90 : i32 to index
    %swap3A_92 = arith.constant 0 : index
    %swap3A_93 = tpu.vector_load %arg10[%swap3A_91, %swap3A_92] {strides = array<i32>} : memref<32x32xi32, #tpu.memory_space<vmem>>, vector<16xi32>,
    tpu.vector_store %arg10[%swap3A_91, %swap3A_92], %broadcast_in_dim3A_6 {strides = array<i32>} : memref<32x32xi32, #tpu.memory_space<vmem>>, vector<16xi32>,
    %swap3A_94 = arith.constant 7 : i32
    %swap3A_95 = arith.index_cast %swap3A_94 : i32 to index
    %swap3A_96 = arith.constant 16 : index
    %swap3A_97 = tpu.vector_load %arg10[%swap3A_95, %swap3A_96] {strides = array<i32>} : memref<32x32xi32, #tpu.memory_space<vmem>>, vector<16xi32>,
    tpu.vector_store %arg10[%swap3A_95, %swap3A_96], %broadcast_in_dim3A_6 {strides = array<i32>} : memref<32x32xi32, #tpu.memory_space<vmem>>, vector<16xi32>,
    %swap3A_98 = arith.constant 7 : i32
    %swap3A_99 = arith.index_cast %swap3A_98 : i32 to index
    %swap3A_100 = arith.constant 0 : index
    %swap3A_101 = tpu.vector_load %arg11[%swap3A_99, %swap3A_100] {strides = array<i32>} : memref<32x16xi32, #tpu.memory_space<vmem>>, vector<16xi32>,
    tpu.vector_store %arg11[%swap3A_99, %swap3A_100], %broadcast_in_dim3A_6 {strides = array<i32>} : memref<32x16xi32, #tpu.memory_space<vmem>>, vector<16xi32>,
    %swap3A_102 = arith.constant 8 : i32
    %swap3A_103 = arith.index_cast %swap3A_102 : i32 to index
    %swap3A_104 = arith.constant 0 : index
    %swap3A_105 = tpu.vector_load %arg10[%swap3A_103, %swap3A_104] {strides = array<i32>} : memref<32x32xi32, #tpu.memory_space<vmem>>, vector<16xi32>,
    tpu.vector_store %arg10[%swap3A_103, %swap3A_104], %broadcast_in_dim3A_6 {strides = array<i32>} : memref<32x32xi32, #tpu.memory_space<vmem>>, vector<16xi32>,
    %swap3A_106 = arith.constant 8 : i32
    %swap3A_107 = arith.index_cast %swap3A_106 : i32 to index
    %swap3A_108 = arith.constant 16 : index
    %swap3A_109 = tpu.vector_load %arg10[%swap3A_107, %swap3A_108] {strides = array<i32>} : memref<32x32xi32, #tpu.memory_space<vmem>>, vector<16xi32>,
    tpu.vector_store %arg10[%swap3A_107, %swap3A_108], %broadcast_in_dim3A_6 {strides = array<i32>} : memref<32x32xi32, #tpu.memory_space<vmem>>, vector<16xi32>,
    %swap3A_110 = arith.constant 8 : i32
    %swap3A_111 = arith.index_cast %swap3A_110 : i32 to index
    %swap3A_112 = arith.constant 0 : index
    %swap3A_113 = tpu.vector_load %arg11[%swap3A_111, %swap3A_112] {strides = array<i32>} : memref<32x16xi32, #tpu.memory_space<vmem>>, vector<16xi32>,
    tpu.vector_store %arg11[%swap3A_111, %swap3A_112], %broadcast_in_dim3A_6 {strides = array<i32>} : memref<32x16xi32, #tpu.memory_space<vmem>>, vector<16xi32>,
    %swap3A_114 = arith.constant 9 : i32
    %swap3A_115 = arith.index_cast %swap3A_114 : i32 to index
    %swap3A_116 = arith.constant 0 : index
    %swap3A_117 = tpu.vector_load %arg10[%swap3A_115, %swap3A_116] {strides = array<i32>} : memref<32x32xi32, #tpu.memory_space<vmem>>, vector<16xi32>,
    tpu.vector_store %arg10[%swap3A_115, %swap3A_116], %broadcast_in_dim3A_6 {strides = array<i32>} : memref<32x32xi32, #tpu.memory_space<vmem>>, vector<16xi32>,
    %swap3A_118 = arith.constant 9 : i32
    %swap3A_119 = arith.index_cast %swap3A_118 : i32 to index
    %swap3A_120 = arith.constant 16 : index
    %swap3A_121 = tpu.vector_load %arg10[%swap3A_119, %swap3A_120] {strides = array<i32>} : memref<32x32xi32, #tpu.memory_space<vmem>>, vector<16xi32>,
    tpu.vector_store %arg10[%swap3A_119, %swap3A_120], %broadcast_in_dim3A_6 {strides = array<i32>} : memref<32x32xi32, #tpu.memory_space<vmem>>, vector<16xi32>,
    %swap3A_122 = arith.constant 9 : i32
    %swap3A_123 = arith.index_cast %swap3A_122 : i32 to index
    %swap3A_124 = arith.constant 0 : index
    %swap3A_125 = tpu.vector_load %arg11[%swap3A_123, %swap3A_124] {strides = array<i32>} : memref<32x16xi32, #tpu.memory_space<vmem>>, vector<16xi32>,
    tpu.vector_store %arg11[%swap3A_123, %swap3A_124], %broadcast_in_dim3A_6 {strides = array<i32>} : memref<32x16xi32, #tpu.memory_space<vmem>>, vector<16xi32>,
    %swap3A_126 = arith.constant 10 : i32
    %swap3A_127 = arith.index_cast %swap3A_126 : i32 to index
    %swap3A_128 = arith.constant 0 : index
    %swap3A_129 = tpu.vector_load %arg10[%swap3A_127, %swap3A_128] {strides = array<i32>} : memref<32x32xi32, #tpu.memory_space<vmem>>, vector<16xi32>,
    tpu.vector_store %arg10[%swap3A_127, %swap3A_128], %broadcast_in_dim3A_6 {strides = array<i32>} : memref<32x32xi32, #tpu.memory_space<vmem>>, vector<16xi32>,
    %swap3A_130 = arith.constant 10 : i32
    %swap3A_131 = arith.index_cast %swap3A_130 : i32 to index
    %swap3A_132 = arith.constant 16 : index
    %swap3A_133 = tpu.vector_load %arg10[%swap3A_131, %swap3A_132] {strides = array<i32>} : memref<32x32xi32, #tpu.memory_space<vmem>>, vector<16xi32>,
    tpu.vector_store %arg10[%swap3A_131, %swap3A_132], %broadcast_in_dim3A_6 {strides = array<i32>} : memref<32x32xi32, #tpu.memory_space<vmem>>, vector<16xi32>,
    %swap3A_134 = arith.constant 10 : i32
    %swap3A_135 = arith.index_cast %swap3A_134 : i32 to index
    %swap3A_136 = arith.constant 0 : index
    %swap3A_137 = tpu.vector_load %arg11[%swap3A_135, %swap3A_136] {strides = array<i32>} : memref<32x16xi32, #tpu.memory_space<vmem>>, vector<16xi32>,
    tpu.vector_store %arg11[%swap3A_135, %swap3A_136], %broadcast_in_dim3A_6 {strides = array<i32>} : memref<32x16xi32, #tpu.memory_space<vmem>>, vector<16xi32>,
    %swap3A_138 = arith.constant 11 : i32
    %swap3A_139 = arith.index_cast %swap3A_138 : i32 to index
    %swap3A_140 = arith.constant 0 : index
    %swap3A_141 = tpu.vector_load %arg10[%swap3A_139, %swap3A_140] {strides = array<i32>} : memref<32x32xi32, #tpu.memory_space<vmem>>, vector<16xi32>,
    tpu.vector_store %arg10[%swap3A_139, %swap3A_140], %broadcast_in_dim3A_6 {strides = array<i32>} : memref<32x32xi32, #tpu.memory_space<vmem>>, vector<16xi32>,
    %swap3A_142 = arith.constant 11 : i32
    %swap3A_143 = arith.index_cast %swap3A_142 : i32 to index
    %swap3A_144 = arith.constant 16 : index
    %swap3A_145 = tpu.vector_load %arg10[%swap3A_143, %swap3A_144] {strides = array<i32>} : memref<32x32xi32, #tpu.memory_space<vmem>>, vector<16xi32>,
    tpu.vector_store %arg10[%swap3A_143, %swap3A_144], %broadcast_in_dim3A_6 {strides = array<i32>} : memref<32x32xi32, #tpu.memory_space<vmem>>, vector<16xi32>,
    %swap3A_146 = arith.constant 11 : i32
    %swap3A_147 = arith.index_cast %swap3A_146 : i32 to index
    %swap3A_148 = arith.constant 0 : index
    %swap3A_149 = tpu.vector_load %arg11[%swap3A_147, %swap3A_148] {strides = array<i32>} : memref<32x16xi32, #tpu.memory_space<vmem>>, vector<16xi32>,
    tpu.vector_store %arg11[%swap3A_147, %swap3A_148], %broadcast_in_dim3A_6 {strides = array<i32>} : memref<32x16xi32, #tpu.memory_space<vmem>>, vector<16xi32>,
    %swap3A_150 = arith.constant 12 : i32
    %swap3A_151 = arith.index_cast %swap3A_150 : i32 to index
    %swap3A_152 = arith.constant 0 : index
    %swap3A_153 = tpu.vector_load %arg10[%swap3A_151, %swap3A_152] {strides = array<i32>} : memref<32x32xi32, #tpu.memory_space<vmem>>, vector<16xi32>,
    tpu.vector_store %arg10[%swap3A_151, %swap3A_152], %broadcast_in_dim3A_6 {strides = array<i32>} : memref<32x32xi32, #tpu.memory_space<vmem>>, vector<16xi32>,
    %swap3A_154 = arith.constant 12 : i32
    %swap3A_155 = arith.index_cast %swap3A_154 : i32 to index
    %swap3A_156 = arith.constant 16 : index
    %swap3A_157 = tpu.vector_load %arg10[%swap3A_155, %swap3A_156] {strides = array<i32>} : memref<32x32xi32, #tpu.memory_space<vmem>>, vector<16xi32>,
    tpu.vector_store %arg10[%swap3A_155, %swap3A_156], %broadcast_in_dim3A_6 {strides = array<i32>} : memref<32x32xi32, #tpu.memory_space<vmem>>, vector<16xi32>,
    %swap3A_158 = arith.constant 12 : i32
    %swap3A_159 = arith.index_cast %swap3A_158 : i32 to index
    %swap3A_160 = arith.constant 0 : index
    %swap3A_161 = tpu.vector_load %arg11[%swap3A_159, %swap3A_160] {strides = array<i32>} : memref<32x16xi32, #tpu.memory_space<vmem>>, vector<16xi32>,
    tpu.vector_store %arg11[%swap3A_159, %swap3A_160], %broadcast_in_dim3A_6 {strides = array<i32>} : memref<32x16xi32, #tpu.memory_space<vmem>>, vector<16xi32>,
    %swap3A_162 = arith.constant 13 : i32
    %swap3A_163 = arith.index_cast %swap3A_162 : i32 to index
    %swap3A_164 = arith.constant 0 : index
    %swap3A_165 = tpu.vector_load %arg10[%swap3A_163, %swap3A_164] {strides = array<i32>} : memref<32x32xi32, #tpu.memory_space<vmem>>, vector<16xi32>,
    tpu.vector_store %arg10[%swap3A_163, %swap3A_164], %broadcast_in_dim3A_6 {strides = array<i32>} : memref<32x32xi32, #tpu.memory_space<vmem>>, vector<16xi32>,
    %swap3A_166 = arith.constant 13 : i32
    %swap3A_167 = arith.index_cast %swap3A_166 : i32 to index
    %swap3A_168 = arith.constant 16 : index
    %swap3A_169 = tpu.vector_load %arg10[%swap3A_167, %swap3A_168] {strides = array<i32>} : memref<32x32xi32, #tpu.memory_space<vmem>>, vector<16xi32>,
    tpu.vector_store %arg10[%swap3A_167, %swap3A_168], %broadcast_in_dim3A_6 {strides = array<i32>} : memref<32x32xi32, #tpu.memory_space<vmem>>, vector<16xi32>,
    %swap3A_170 = arith.constant 13 : i32
    %swap3A_171 = arith.index_cast %swap3A_170 : i32 to index
    %swap3A_172 = arith.constant 0 : index
    %swap3A_173 = tpu.vector_load %arg11[%swap3A_171, %swap3A_172] {strides = array<i32>} : memref<32x16xi32, #tpu.memory_space<vmem>>, vector<16xi32>,
    tpu.vector_store %arg11[%swap3A_171, %swap3A_172], %broadcast_in_dim3A_6 {strides = array<i32>} : memref<32x16xi32, #tpu.memory_space<vmem>>, vector<16xi32>,
    %swap3A_174 = arith.constant 14 : i32
    %swap3A_175 = arith.index_cast %swap3A_174 : i32 to index
    %swap3A_176 = arith.constant 0 : index
    %swap3A_177 = tpu.vector_load %arg10[%swap3A_175, %swap3A_176] {strides = array<i32>} : memref<32x32xi32, #tpu.memory_space<vmem>>, vector<16xi32>,
    tpu.vector_store %arg10[%swap3A_175, %swap3A_176], %broadcast_in_dim3A_6 {strides = array<i32>} : memref<32x32xi32, #tpu.memory_space<vmem>>, vector<16xi32>,
    %swap3A_178 = arith.constant 14 : i32
    %swap3A_179 = arith.index_cast %swap3A_178 : i32 to index
    %swap3A_180 = arith.constant 16 : index
    %swap3A_181 = tpu.vector_load %arg10[%swap3A_179, %swap3A_180] {strides = array<i32>} : memref<32x32xi32, #tpu.memory_space<vmem>>, vector<16xi32>,
    tpu.vector_store %arg10[%swap3A_179, %swap3A_180], %broadcast_in_dim3A_6 {strides = array<i32>} : memref<32x32xi32, #tpu.memory_space<vmem>>, vector<16xi32>,
    %swap3A_182 = arith.constant 14 : i32
    %swap3A_183 = arith.index_cast %swap3A_182 : i32 to index
    %swap3A_184 = arith.constant 0 : index
    %swap3A_185 = tpu.vector_load %arg11[%swap3A_183, %swap3A_184] {strides = array<i32>} : memref<32x16xi32, #tpu.memory_space<vmem>>, vector<16xi32>,
    tpu.vector_store %arg11[%swap3A_183, %swap3A_184], %broadcast_in_dim3A_6 {strides = array<i32>} : memref<32x16xi32, #tpu.memory_space<vmem>>, vector<16xi32>,
    %swap3A_186 = arith.constant 15 : i32
    %swap3A_187 = arith.index_cast %swap3A_186 : i32 to index
    %swap3A_188 = arith.constant 0 : index
    %swap3A_189 = tpu.vector_load %arg10[%swap3A_187, %swap3A_188] {strides = array<i32>} : memref<32x32xi32, #tpu.memory_space<vmem>>, vector<16xi32>,
    tpu.vector_store %arg10[%swap3A_187, %swap3A_188], %broadcast_in_dim3A_6 {strides = array<i32>} : memref<32x32xi32, #tpu.memory_space<vmem>>, vector<16xi32>,
    %swap3A_190 = arith.constant 15 : i32
    %swap3A_191 = arith.index_cast %swap3A_190 : i32 to index
    %swap3A_192 = arith.constant 16 : index
    %swap3A_193 = tpu.vector_load %arg10[%swap3A_191, %swap3A_192] {strides = array<i32>} : memref<32x32xi32, #tpu.memory_space<vmem>>, vector<16xi32>,
    tpu.vector_store %arg10[%swap3A_191, %swap3A_192], %broadcast_in_dim3A_6 {strides = array<i32>} : memref<32x32xi32, #tpu.memory_space<vmem>>, vector<16xi32>,
    %swap3A_194 = arith.constant 15 : i32
    %swap3A_195 = arith.index_cast %swap3A_194 : i32 to index
    %swap3A_196 = arith.constant 0 : index
    %swap3A_197 = tpu.vector_load %arg11[%swap3A_195, %swap3A_196] {strides = array<i32>} : memref<32x16xi32, #tpu.memory_space<vmem>>, vector<16xi32>,
    tpu.vector_store %arg11[%swap3A_195, %swap3A_196], %broadcast_in_dim3A_6 {strides = array<i32>} : memref<32x16xi32, #tpu.memory_space<vmem>>, vector<16xi32>,
    %swap3A_198 = arith.constant 16 : i32
    %swap3A_199 = arith.index_cast %swap3A_198 : i32 to index
    %swap3A_200 = arith.constant 0 : index
    %swap3A_201 = tpu.vector_load %arg10[%swap3A_199, %swap3A_200] {strides = array<i32>} : memref<32x32xi32, #tpu.memory_space<vmem>>, vector<16xi32>,
    tpu.vector_store %arg10[%swap3A_199, %swap3A_200], %broadcast_in_dim3A_6 {strides = array<i32>} : memref<32x32xi32, #tpu.memory_space<vmem>>, vector<16xi32>,
    %swap3A_202 = arith.constant 16 : i32
    %swap3A_203 = arith.index_cast %swap3A_202 : i32 to index
    %swap3A_204 = arith.constant 16 : index
    %swap3A_205 = tpu.vector_load %arg10[%swap3A_203, %swap3A_204] {strides = array<i32>} : memref<32x32xi32, #tpu.memory_space<vmem>>, vector<16xi32>,
    tpu.vector_store %arg10[%swap3A_203, %swap3A_204], %broadcast_in_dim3A_6 {strides = array<i32>} : memref<32x32xi32, #tpu.memory_space<vmem>>, vector<16xi32>,
    %swap3A_206 = arith.constant 16 : i32
    %swap3A_207 = arith.index_cast %swap3A_206 : i32 to index
    %swap3A_208 = arith.constant 0 : index
    %swap3A_209 = tpu.vector_load %arg11[%swap3A_207, %swap3A_208] {strides = array<i32>} : memref<32x16xi32, #tpu.memory_space<vmem>>, vector<16xi32>,
    tpu.vector_store %arg11[%swap3A_207, %swap3A_208], %broadcast_in_dim3A_6 {strides = array<i32>} : memref<32x16xi32, #tpu.memory_space<vmem>>, vector<16xi32>,
    %swap3A_210 = arith.constant 17 : i32
    %swap3A_211 = arith.index_cast %swap3A_210 : i32 to index
    %swap3A_212 = arith.constant 0 : index
    %swap3A_213 = tpu.vector_load %arg10[%swap3A_211, %swap3A_212] {strides = array<i32>} : memref<32x32xi32, #tpu.memory_space<vmem>>, vector<16xi32>,
    tpu.vector_store %arg10[%swap3A_211, %swap3A_212], %broadcast_in_dim3A_6 {strides = array<i32>} : memref<32x32xi32, #tpu.memory_space<vmem>>, vector<16xi32>,
    %swap3A_214 = arith.constant 17 : i32
    %swap3A_215 = arith.index_cast %swap3A_214 : i32 to index
    %swap3A_216 = arith.constant 16 : index
    %swap3A_217 = tpu.vector_load %arg10[%swap3A_215, %swap3A_216] {strides = array<i32>} : memref<32x32xi32, #tpu.memory_space<vmem>>, vector<16xi32>,
    tpu.vector_store %arg10[%swap3A_215, %swap3A_216], %broadcast_in_dim3A_6 {strides = array<i32>} : memref<32x32xi32, #tpu.memory_space<vmem>>, vector<16xi32>,
    %swap3A_218 = arith.constant 17 : i32
    %swap3A_219 = arith.index_cast %swap3A_218 : i32 to index
    %swap3A_220 = arith.constant 0 : index
    %swap3A_221 = tpu.vector_load %arg11[%swap3A_219, %swap3A_220] {strides = array<i32>} : memref<32x16xi32, #tpu.memory_space<vmem>>, vector<16xi32>,
    tpu.vector_store %arg11[%swap3A_219, %swap3A_220], %broadcast_in_dim3A_6 {strides = array<i32>} : memref<32x16xi32, #tpu.memory_space<vmem>>, vector<16xi32>,
    %swap3A_222 = arith.constant 18 : i32
    %swap3A_223 = arith.index_cast %swap3A_222 : i32 to index
    %swap3A_224 = arith.constant 0 : index
    %swap3A_225 = tpu.vector_load %arg10[%swap3A_223, %swap3A_224] {strides = array<i32>} : memref<32x32xi32, #tpu.memory_space<vmem>>, vector<16xi32>,
    tpu.vector_store %arg10[%swap3A_223, %swap3A_224], %broadcast_in_dim3A_6 {strides = array<i32>} : memref<32x32xi32, #tpu.memory_space<vmem>>, vector<16xi32>,
    %swap3A_226 = arith.constant 18 : i32
    %swap3A_227 = arith.index_cast %swap3A_226 : i32 to index
    %swap3A_228 = arith.constant 16 : index
    %swap3A_229 = tpu.vector_load %arg10[%swap3A_227, %swap3A_228] {strides = array<i32>} : memref<32x32xi32, #tpu.memory_space<vmem>>, vector<16xi32>,
    tpu.vector_store %arg10[%swap3A_227, %swap3A_228], %broadcast_in_dim3A_6 {strides = array<i32>} : memref<32x32xi32, #tpu.memory_space<vmem>>, vector<16xi32>,
    %swap3A_230 = arith.constant 18 : i32
    %swap3A_231 = arith.index_cast %swap3A_230 : i32 to index
    %swap3A_232 = arith.constant 0 : index
    %swap3A_233 = tpu.vector_load %arg11[%swap3A_231, %swap3A_232] {strides = array<i32>} : memref<32x16xi32, #tpu.memory_space<vmem>>, vector<16xi32>,
    tpu.vector_store %arg11[%swap3A_231, %swap3A_232], %broadcast_in_dim3A_6 {strides = array<i32>} : memref<32x16xi32, #tpu.memory_space<vmem>>, vector<16xi32>,
    %swap3A_234 = arith.constant 19 : i32
    %swap3A_235 = arith.index_cast %swap3A_234 : i32 to index
    %swap3A_236 = arith.constant 0 : index
    %swap3A_237 = tpu.vector_load %arg10[%swap3A_235, %swap3A_236] {strides = array<i32>} : memref<32x32xi32, #tpu.memory_space<vmem>>, vector<16xi32>,
    tpu.vector_store %arg10[%swap3A_235, %swap3A_236], %broadcast_in_dim3A_6 {strides = array<i32>} : memref<32x32xi32, #tpu.memory_space<vmem>>, vector<16xi32>,
    %swap3A_238 = arith.constant 19 : i32
    %swap3A_239 = arith.index_cast %swap3A_238 : i32 to index
    %swap3A_240 = arith.constant 16 : index
    %swap3A_241 = tpu.vector_load %arg10[%swap3A_239, %swap3A_240] {strides = array<i32>} : memref<32x32xi32, #tpu.memory_space<vmem>>, vector<16xi32>,
    tpu.vector_store %arg10[%swap3A_239, %swap3A_240], %broadcast_in_dim3A_6 {strides = array<i32>} : memref<32x32xi32, #tpu.memory_space<vmem>>, vector<16xi32>,
    %swap3A_242 = arith.constant 19 : i32
    %swap3A_243 = arith.index_cast %swap3A_242 : i32 to index
    %swap3A_244 = arith.constant 0 : index
    %swap3A_245 = tpu.vector_load %arg11[%swap3A_243, %swap3A_244] {strides = array<i32>} : memref<32x16xi32, #tpu.memory_space<vmem>>, vector<16xi32>,
    tpu.vector_store %arg11[%swap3A_243, %swap3A_244], %broadcast_in_dim3A_6 {strides = array<i32>} : memref<32x16xi32, #tpu.memory_space<vmem>>, vector<16xi32>,
    %swap3A_246 = arith.constant 20 : i32
    %swap3A_247 = arith.index_cast %swap3A_246 : i32 to index
    %swap3A_248 = arith.constant 0 : index
    %swap3A_249 = tpu.vector_load %arg10[%swap3A_247, %swap3A_248] {strides = array<i32>} : memref<32x32xi32, #tpu.memory_space<vmem>>, vector<16xi32>,
    tpu.vector_store %arg10[%swap3A_247, %swap3A_248], %broadcast_in_dim3A_6 {strides = array<i32>} : memref<32x32xi32, #tpu.memory_space<vmem>>, vector<16xi32>,
    %swap3A_250 = arith.constant 20 : i32
    %swap3A_251 = arith.index_cast %swap3A_250 : i32 to index
    %swap3A_252 = arith.constant 16 : index
    %swap3A_253 = tpu.vector_load %arg10[%swap3A_251, %swap3A_252] {strides = array<i32>} : memref<32x32xi32, #tpu.memory_space<vmem>>, vector<16xi32>,
    tpu.vector_store %arg10[%swap3A_251, %swap3A_252], %broadcast_in_dim3A_6 {strides = array<i32>} : memref<32x32xi32, #tpu.memory_space<vmem>>, vector<16xi32>,
    %swap3A_254 = arith.constant 20 : i32
    %swap3A_255 = arith.index_cast %swap3A_254 : i32 to index
    %swap3A_256 = arith.constant 0 : index
    %swap3A_257 = tpu.vector_load %arg11[%swap3A_255, %swap3A_256] {strides = array<i32>} : memref<32x16xi32, #tpu.memory_space<vmem>>, vector<16xi32>,
    tpu.vector_store %arg11[%swap3A_255, %swap3A_256], %broadcast_in_dim3A_6 {strides = array<i32>} : memref<32x16xi32, #tpu.memory_space<vmem>>, vector<16xi32>,
    %swap3A_258 = arith.constant 21 : i32
    %swap3A_259 = arith.index_cast %swap3A_258 : i32 to index
    %swap3A_260 = arith.constant 0 : index
    %swap3A_261 = tpu.vector_load %arg10[%swap3A_259, %swap3A_260] {strides = array<i32>} : memref<32x32xi32, #tpu.memory_space<vmem>>, vector<16xi32>,
    tpu.vector_store %arg10[%swap3A_259, %swap3A_260], %broadcast_in_dim3A_6 {strides = array<i32>} : memref<32x32xi32, #tpu.memory_space<vmem>>, vector<16xi32>,
    %swap3A_262 = arith.constant 21 : i32
    %swap3A_263 = arith.index_cast %swap3A_262 : i32 to index
    %swap3A_264 = arith.constant 16 : index
    %swap3A_265 = tpu.vector_load %arg10[%swap3A_263, %swap3A_264] {strides = array<i32>} : memref<32x32xi32, #tpu.memory_space<vmem>>, vector<16xi32>,
    tpu.vector_store %arg10[%swap3A_263, %swap3A_264], %broadcast_in_dim3A_6 {strides = array<i32>} : memref<32x32xi32, #tpu.memory_space<vmem>>, vector<16xi32>,
    %swap3A_266 = arith.constant 21 : i32
    %swap3A_267 = arith.index_cast %swap3A_266 : i32 to index
    %swap3A_268 = arith.constant 0 : index
    %swap3A_269 = tpu.vector_load %arg11[%swap3A_267, %swap3A_268] {strides = array<i32>} : memref<32x16xi32, #tpu.memory_space<vmem>>, vector<16xi32>,
    tpu.vector_store %arg11[%swap3A_267, %swap3A_268], %broadcast_in_dim3A_6 {strides = array<i32>} : memref<32x16xi32, #tpu.memory_space<vmem>>, vector<16xi32>,
    %swap3A_270 = arith.constant 22 : i32
    %swap3A_271 = arith.index_cast %swap3A_270 : i32 to index
    %swap3A_272 = arith.constant 0 : index
    %swap3A_273 = tpu.vector_load %arg10[%swap3A_271, %swap3A_272] {strides = array<i32>} : memref<32x32xi32, #tpu.memory_space<vmem>>, vector<16xi32>,
    tpu.vector_store %arg10[%swap3A_271, %swap3A_272], %broadcast_in_dim3A_6 {strides = array<i32>} : memref<32x32xi32, #tpu.memory_space<vmem>>, vector<16xi32>,
    %swap3A_274 = arith.constant 22 : i32
    %swap3A_275 = arith.index_cast %swap3A_274 : i32 to index
    %swap3A_276 = arith.constant 16 : index
    %swap3A_277 = tpu.vector_load %arg10[%swap3A_275, %swap3A_276] {strides = array<i32>} : memref<32x32xi32, #tpu.memory_space<vmem>>, vector<16xi32>,
    tpu.vector_store %arg10[%swap3A_275, %swap3A_276], %broadcast_in_dim3A_6 {strides = array<i32>} : memref<32x32xi32, #tpu.memory_space<vmem>>, vector<16xi32>,
    %swap3A_278 = arith.constant 22 : i32
    %swap3A_279 = arith.index_cast %swap3A_278 : i32 to index
    %swap3A_280 = arith.constant 0 : index
    %swap3A_281 = tpu.vector_load %arg11[%swap3A_279, %swap3A_280] {strides = array<i32>} : memref<32x16xi32, #tpu.memory_space<vmem>>, vector<16xi32>,
    tpu.vector_store %arg11[%swap3A_279, %swap3A_280], %broadcast_in_dim3A_6 {strides = array<i32>} : memref<32x16xi32, #tpu.memory_space<vmem>>, vector<16xi32>,
    %swap3A_282 = arith.constant 23 : i32
    %swap3A_283 = arith.index_cast %swap3A_282 : i32 to index
    %swap3A_284 = arith.constant 0 : index
    %swap3A_285 = tpu.vector_load %arg10[%swap3A_283, %swap3A_284] {strides = array<i32>} : memref<32x32xi32, #tpu.memory_space<vmem>>, vector<16xi32>,
    tpu.vector_store %arg10[%swap3A_283, %swap3A_284], %broadcast_in_dim3A_6 {strides = array<i32>} : memref<32x32xi32, #tpu.memory_space<vmem>>, vector<16xi32>,
    %swap3A_286 = arith.constant 23 : i32
    %swap3A_287 = arith.index_cast %swap3A_286 : i32 to index
    %swap3A_288 = arith.constant 16 : index
    %swap3A_289 = tpu.vector_load %arg10[%swap3A_287, %swap3A_288] {strides = array<i32>} : memref<32x32xi32, #tpu.memory_space<vmem>>, vector<16xi32>,
    tpu.vector_store %arg10[%swap3A_287, %swap3A_288], %broadcast_in_dim3A_6 {strides = array<i32>} : memref<32x32xi32, #tpu.memory_space<vmem>>, vector<16xi32>,
    %swap3A_290 = arith.constant 23 : i32
    %swap3A_291 = arith.index_cast %swap3A_290 : i32 to index
    %swap3A_292 = arith.constant 0 : index
    %swap3A_293 = tpu.vector_load %arg11[%swap3A_291, %swap3A_292] {strides = array<i32>} : memref<32x16xi32, #tpu.memory_space<vmem>>, vector<16xi32>,
    tpu.vector_store %arg11[%swap3A_291, %swap3A_292], %broadcast_in_dim3A_6 {strides = array<i32>} : memref<32x16xi32, #tpu.memory_space<vmem>>, vector<16xi32>,
    %swap3A_294 = arith.constant 24 : i32
    %swap3A_295 = arith.index_cast %swap3A_294 : i32 to index
    %swap3A_296 = arith.constant 0 : index
    %swap3A_297 = tpu.vector_load %arg10[%swap3A_295, %swap3A_296] {strides = array<i32>} : memref<32x32xi32, #tpu.memory_space<vmem>>, vector<16xi32>,
    tpu.vector_store %arg10[%swap3A_295, %swap3A_296], %broadcast_in_dim3A_6 {strides = array<i32>} : memref<32x32xi32, #tpu.memory_space<vmem>>, vector<16xi32>,
    %swap3A_298 = arith.constant 24 : i32
    %swap3A_299 = arith.index_cast %swap3A_298 : i32 to index
    %swap3A_300 = arith.constant 16 : index
    %swap3A_301 = tpu.vector_load %arg10[%swap3A_299, %swap3A_300] {strides = array<i32>} : memref<32x32xi32, #tpu.memory_space<vmem>>, vector<16xi32>,
    tpu.vector_store %arg10[%swap3A_299, %swap3A_300], %broadcast_in_dim3A_6 {strides = array<i32>} : memref<32x32xi32, #tpu.memory_space<vmem>>, vector<16xi32>,
    %swap3A_302 = arith.constant 24 : i32
    %swap3A_303 = arith.index_cast %swap3A_302 : i32 to index
    %swap3A_304 = arith.constant 0 : index
    %swap3A_305 = tpu.vector_load %arg11[%swap3A_303, %swap3A_304] {strides = array<i32>} : memref<32x16xi32, #tpu.memory_space<vmem>>, vector<16xi32>,
    tpu.vector_store %arg11[%swap3A_303, %swap3A_304], %broadcast_in_dim3A_6 {strides = array<i32>} : memref<32x16xi32, #tpu.memory_space<vmem>>, vector<16xi32>,
    %swap3A_306 = arith.constant 25 : i32
    %swap3A_307 = arith.index_cast %swap3A_306 : i32 to index
    %swap3A_308 = arith.constant 0 : index
    %swap3A_309 = tpu.vector_load %arg10[%swap3A_307, %swap3A_308] {strides = array<i32>} : memref<32x32xi32, #tpu.memory_space<vmem>>, vector<16xi32>,
    tpu.vector_store %arg10[%swap3A_307, %swap3A_308], %broadcast_in_dim3A_6 {strides = array<i32>} : memref<32x32xi32, #tpu.memory_space<vmem>>, vector<16xi32>,
    %swap3A_310 = arith.constant 25 : i32
    %swap3A_311 = arith.index_cast %swap3A_310 : i32 to index
    %swap3A_312 = arith.constant 16 : index
    %swap3A_313 = tpu.vector_load %arg10[%swap3A_311, %swap3A_312] {strides = array<i32>} : memref<32x32xi32, #tpu.memory_space<vmem>>, vector<16xi32>,
    tpu.vector_store %arg10[%swap3A_311, %swap3A_312], %broadcast_in_dim3A_6 {strides = array<i32>} : memref<32x32xi32, #tpu.memory_space<vmem>>, vector<16xi32>,
    %swap3A_314 = arith.constant 25 : i32
    %swap3A_315 = arith.index_cast %swap3A_314 : i32 to index
    %swap3A_316 = arith.constant 0 : index
    %swap3A_317 = tpu.vector_load %arg11[%swap3A_315, %swap3A_316] {strides = array<i32>} : memref<32x16xi32, #tpu.memory_space<vmem>>, vector<16xi32>,
    tpu.vector_store %arg11[%swap3A_315, %swap3A_316], %broadcast_in_dim3A_6 {strides = array<i32>} : memref<32x16xi32, #tpu.memory_space<vmem>>, vector<16xi32>,
    %swap3A_318 = arith.constant 26 : i32
    %swap3A_319 = arith.index_cast %swap3A_318 : i32 to index
    %swap3A_320 = arith.constant 0 : index
    %swap3A_321 = tpu.vector_load %arg10[%swap3A_319, %swap3A_320] {strides = array<i32>} : memref<32x32xi32, #tpu.memory_space<vmem>>, vector<16xi32>,
    tpu.vector_store %arg10[%swap3A_319, %swap3A_320], %broadcast_in_dim3A_6 {strides = array<i32>} : memref<32x32xi32, #tpu.memory_space<vmem>>, vector<16xi32>,
    %swap3A_322 = arith.constant 26 : i32
    %swap3A_323 = arith.index_cast %swap3A_322 : i32 to index
    %swap3A_324 = arith.constant 16 : index
    %swap3A_325 = tpu.vector_load %arg10[%swap3A_323, %swap3A_324] {strides = array<i32>} : memref<32x32xi32, #tpu.memory_space<vmem>>, vector<16xi32>,
    tpu.vector_store %arg10[%swap3A_323, %swap3A_324], %broadcast_in_dim3A_6 {strides = array<i32>} : memref<32x32xi32, #tpu.memory_space<vmem>>, vector<16xi32>,
    %swap3A_326 = arith.constant 26 : i32
    %swap3A_327 = arith.index_cast %swap3A_326 : i32 to index
    %swap3A_328 = arith.constant 0 : index
    %swap3A_329 = tpu.vector_load %arg11[%swap3A_327, %swap3A_328] {strides = array<i32>} : memref<32x16xi32, #tpu.memory_space<vmem>>, vector<16xi32>,
    tpu.vector_store %arg11[%swap3A_327, %swap3A_328], %broadcast_in_dim3A_6 {strides = array<i32>} : memref<32x16xi32, #tpu.memory_space<vmem>>, vector<16xi32>,
    %swap3A_330 = arith.constant 27 : i32
    %swap3A_331 = arith.index_cast %swap3A_330 : i32 to index
    %swap3A_332 = arith.constant 0 : index
    %swap3A_333 = tpu.vector_load %arg10[%swap3A_331, %swap3A_332] {strides = array<i32>} : memref<32x32xi32, #tpu.memory_space<vmem>>, vector<16xi32>,
    tpu.vector_store %arg10[%swap3A_331, %swap3A_332], %broadcast_in_dim3A_6 {strides = array<i32>} : memref<32x32xi32, #tpu.memory_space<vmem>>, vector<16xi32>,
    %swap3A_334 = arith.constant 27 : i32
    %swap3A_335 = arith.index_cast %swap3A_334 : i32 to index
    %swap3A_336 = arith.constant 16 : index
    %swap3A_337 = tpu.vector_load %arg10[%swap3A_335, %swap3A_336] {strides = array<i32>} : memref<32x32xi32, #tpu.memory_space<vmem>>, vector<16xi32>,
    tpu.vector_store %arg10[%swap3A_335, %swap3A_336], %broadcast_in_dim3A_6 {strides = array<i32>} : memref<32x32xi32, #tpu.memory_space<vmem>>, vector<16xi32>,
    %swap3A_338 = arith.constant 27 : i32
    %swap3A_339 = arith.index_cast %swap3A_338 : i32 to index
    %swap3A_340 = arith.constant 0 : index
    %swap3A_341 = tpu.vector_load %arg11[%swap3A_339, %swap3A_340] {strides = array<i32>} : memref<32x16xi32, #tpu.memory_space<vmem>>, vector<16xi32>,
    tpu.vector_store %arg11[%swap3A_339, %swap3A_340], %broadcast_in_dim3A_6 {strides = array<i32>} : memref<32x16xi32, #tpu.memory_space<vmem>>, vector<16xi32>,
    %swap3A_342 = arith.constant 28 : i32
    %swap3A_343 = arith.index_cast %swap3A_342 : i32 to index
    %swap3A_344 = arith.constant 0 : index
    %swap3A_345 = tpu.vector_load %arg10[%swap3A_343, %swap3A_344] {strides = array<i32>} : memref<32x32xi32, #tpu.memory_space<vmem>>, vector<16xi32>,
    tpu.vector_store %arg10[%swap3A_343, %swap3A_344], %broadcast_in_dim3A_6 {strides = array<i32>} : memref<32x32xi32, #tpu.memory_space<vmem>>, vector<16xi32>,
    %swap3A_346 = arith.constant 28 : i32
    %swap3A_347 = arith.index_cast %swap3A_346 : i32 to index
    %swap3A_348 = arith.constant 16 : index
    %swap3A_349 = tpu.vector_load %arg10[%swap3A_347, %swap3A_348] {strides = array<i32>} : memref<32x32xi32, #tpu.memory_space<vmem>>, vector<16xi32>,
    tpu.vector_store %arg10[%swap3A_347, %swap3A_348], %broadcast_in_dim3A_6 {strides = array<i32>} : memref<32x32xi32, #tpu.memory_space<vmem>>, vector<16xi32>,
    %swap3A_350 = arith.constant 28 : i32
    %swap3A_351 = arith.index_cast %swap3A_350 : i32 to index
    %swap3A_352 = arith.constant 0 : index
    %swap3A_353 = tpu.vector_load %arg11[%swap3A_351, %swap3A_352] {strides = array<i32>} : memref<32x16xi32, #tpu.memory_space<vmem>>, vector<16xi32>,
    tpu.vector_store %arg11[%swap3A_351, %swap3A_352], %broadcast_in_dim3A_6 {strides = array<i32>} : memref<32x16xi32, #tpu.memory_space<vmem>>, vector<16xi32>,
    %swap3A_354 = arith.constant 29 : i32
    %swap3A_355 = arith.index_cast %swap3A_354 : i32 to index
    %swap3A_356 = arith.constant 0 : index
    %swap3A_357 = tpu.vector_load %arg10[%swap3A_355, %swap3A_356] {strides = array<i32>} : memref<32x32xi32, #tpu.memory_space<vmem>>, vector<16xi32>,
    tpu.vector_store %arg10[%swap3A_355, %swap3A_356], %broadcast_in_dim3A_6 {strides = array<i32>} : memref<32x32xi32, #tpu.memory_space<vmem>>, vector<16xi32>,
    %swap3A_358 = arith.constant 29 : i32
    %swap3A_359 = arith.index_cast %swap3A_358 : i32 to index
    %swap3A_360 = arith.constant 16 : index
    %swap3A_361 = tpu.vector_load %arg10[%swap3A_359, %swap3A_360] {strides = array<i32>} : memref<32x32xi32, #tpu.memory_space<vmem>>, vector<16xi32>,
    tpu.vector_store %arg10[%swap3A_359, %swap3A_360], %broadcast_in_dim3A_6 {strides = array<i32>} : memref<32x32xi32, #tpu.memory_space<vmem>>, vector<16xi32>,
    %swap3A_362 = arith.constant 29 : i32
    %swap3A_363 = arith.index_cast %swap3A_362 : i32 to index
    %swap3A_364 = arith.constant 0 : index
    %swap3A_365 = tpu.vector_load %arg11[%swap3A_363, %swap3A_364] {strides = array<i32>} : memref<32x16xi32, #tpu.memory_space<vmem>>, vector<16xi32>,
    tpu.vector_store %arg11[%swap3A_363, %swap3A_364], %broadcast_in_dim3A_6 {strides = array<i32>} : memref<32x16xi32, #tpu.memory_space<vmem>>, vector<16xi32>,
    %swap3A_366 = arith.constant 30 : i32
    %swap3A_367 = arith.index_cast %swap3A_366 : i32 to index
    %swap3A_368 = arith.constant 0 : index
    %swap3A_369 = tpu.vector_load %arg10[%swap3A_367, %swap3A_368] {strides = array<i32>} : memref<32x32xi32, #tpu.memory_space<vmem>>, vector<16xi32>,
    tpu.vector_store %arg10[%swap3A_367, %swap3A_368], %broadcast_in_dim3A_6 {strides = array<i32>} : memref<32x32xi32, #tpu.memory_space<vmem>>, vector<16xi32>,
    %swap3A_370 = arith.constant 30 : i32
    %swap3A_371 = arith.index_cast %swap3A_370 : i32 to index
    %swap3A_372 = arith.constant 16 : index
    %swap3A_373 = tpu.vector_load %arg10[%swap3A_371, %swap3A_372] {strides = array<i32>} : memref<32x32xi32, #tpu.memory_space<vmem>>, vector<16xi32>,
    tpu.vector_store %arg10[%swap3A_371, %swap3A_372], %broadcast_in_dim3A_6 {strides = array<i32>} : memref<32x32xi32, #tpu.memory_space<vmem>>, vector<16xi32>,
    %swap3A_374 = arith.constant 30 : i32
    %swap3A_375 = arith.index_cast %swap3A_374 : i32 to index
    %swap3A_376 = arith.constant 0 : index
    %swap3A_377 = tpu.vector_load %arg11[%swap3A_375, %swap3A_376] {strides = array<i32>} : memref<32x16xi32, #tpu.memory_space<vmem>>, vector<16xi32>,
    tpu.vector_store %arg11[%swap3A_375, %swap3A_376], %broadcast_in_dim3A_6 {strides = array<i32>} : memref<32x16xi32, #tpu.memory_space<vmem>>, vector<16xi32>,
    %swap3A_378 = arith.constant 31 : i32
    %swap3A_379 = arith.index_cast %swap3A_378 : i32 to index
    %swap3A_380 = arith.constant 0 : index
    %swap3A_381 = tpu.vector_load %arg10[%swap3A_379, %swap3A_380] {strides = array<i32>} : memref<32x32xi32, #tpu.memory_space<vmem>>, vector<16xi32>,
    tpu.vector_store %arg10[%swap3A_379, %swap3A_380], %broadcast_in_dim3A_6 {strides = array<i32>} : memref<32x32xi32, #tpu.memory_space<vmem>>, vector<16xi32>,
    %swap3A_382 = arith.constant 31 : i32
    %swap3A_383 = arith.index_cast %swap3A_382 : i32 to index
    %swap3A_384 = arith.constant 16 : index
    %swap3A_385 = tpu.vector_load %arg10[%swap3A_383, %swap3A_384] {strides = array<i32>} : memref<32x32xi32, #tpu.memory_space<vmem>>, vector<16xi32>,
    tpu.vector_store %arg10[%swap3A_383, %swap3A_384], %broadcast_in_dim3A_6 {strides = array<i32>} : memref<32x32xi32, #tpu.memory_space<vmem>>, vector<16xi32>,
    %swap3A_386 = arith.constant 31 : i32
    %swap3A_387 = arith.index_cast %swap3A_386 : i32 to index
    %swap3A_388 = arith.constant 0 : index
    %swap3A_389 = tpu.vector_load %arg11[%swap3A_387, %swap3A_388] {strides = array<i32>} : memref<32x16xi32, #tpu.memory_space<vmem>>, vector<16xi32>,
    tpu.vector_store %arg11[%swap3A_387, %swap3A_388], %broadcast_in_dim3A_6 {strides = array<i32>} : memref<32x16xi32, #tpu.memory_space<vmem>>, vector<16xi32>,
    %dma_wait3A = tpu.memref_slice %arg2[%mul3A_0] : memref<2048xi32, #tpu.memory_space<hbm>> -> memref<128xi32, #tpu.memory_space<hbm>>
    %dma_wait3A_390 = tpu.memref_slice %arg2[%mul3A_0] : memref<2048xi32, #tpu.memory_space<hbm>> -> memref<128xi32, #tpu.memory_space<hbm>>
    tpu.wait_dma2 semaphore(%arg12 : memref<!tpu.dma_semaphore, #tpu.memory_space<semaphore_mem>>) src(%dma_wait3A_390 : memref<128xi32, #tpu.memory_space<hbm>>) dst(%arg7 : memref<128xi32, #tpu.memory_space<vmem>>)
    %dma_wait3A_391 = tpu.memref_slice %arg3[%mul3A_0] : memref<2048xi32, #tpu.memory_space<hbm>> -> memref<128xi32, #tpu.memory_space<hbm>>
    %dma_wait3A_392 = tpu.memref_slice %arg3[%mul3A_0] : memref<2048xi32, #tpu.memory_space<hbm>> -> memref<128xi32, #tpu.memory_space<hbm>>
    tpu.wait_dma2 semaphore(%arg12 : memref<!tpu.dma_semaphore, #tpu.memory_space<semaphore_mem>>) src(%dma_wait3A_392 : memref<128xi32, #tpu.memory_space<hbm>>) dst(%arg8 : memref<128xi32, #tpu.memory_space<vmem>>)
    %dma_wait3A_393 = tpu.memref_slice %arg4[%mul3A_0] : memref<2048xi32, #tpu.memory_space<hbm>> -> memref<128xi32, #tpu.memory_space<hbm>>
    %dma_wait3A_394 = tpu.memref_slice %arg4[%mul3A_0] : memref<2048xi32, #tpu.memory_space<hbm>> -> memref<128xi32, #tpu.memory_space<hbm>>
    tpu.wait_dma2 semaphore(%arg12 : memref<!tpu.dma_semaphore, #tpu.memory_space<semaphore_mem>>) src(%dma_wait3A_394 : memref<128xi32, #tpu.memory_space<hbm>>) dst(%arg9 : memref<128xi32, #tpu.memory_space<vmem>>)
    %broadcast_in_dim3A_395 = arith.constant 1 : i32
    %broadcast_in_dim3A_396 = vector.broadcast %broadcast_in_dim3A_395 : i32 to vector<16xi32>
    %get3A = arith.constant 0 : index
    %get3A_397 = tpu.vector_load %arg7[%get3A] {strides = array<i32>} : memref<128xi32, #tpu.memory_space<vmem>>, vector<16xi32>,
    %get3A_398 = arith.constant 0 : index
    %get3A_399 = tpu.vector_load %arg8[%get3A_398] {strides = array<i32>} : memref<128xi32, #tpu.memory_space<vmem>>, vector<16xi32>,
    %get3A_400 = arith.constant 0 : index
    %get3A_401 = tpu.vector_load %arg9[%get3A_400] {strides = array<i32>} : memref<128xi32, #tpu.memory_space<vmem>>, vector<16xi32>,
    %lt3A = arith.constant 32 : i32
    %lt3A_402 = vector.broadcast %lt3A : i32 to vector<16xi32>
    %lt3A_403 = arith.cmpi slt, %get3A_397, %lt3A_402 : vector<16xi32>
    %lt3A_404 = arith.constant 32 : i32
    %lt3A_405 = vector.broadcast %lt3A_404 : i32 to vector<16xi32>
    %lt3A_406 = arith.cmpi slt, %get3A_399, %lt3A_405 : vector<16xi32>
    %and3A = arith.andi %lt3A_403, %lt3A_406 : vector<16xi1>
    %jit3A = arith.constant 0 : i32
    %broadcast_in_dim3A_407 = vector.broadcast %jit3A : i32 to vector<16xi32>
    %select_n3A = arith.select %and3A, %get3A_397, %broadcast_in_dim3A_407 : vector<16xi1>, vector<16xi32>
    %jit3A_408 = arith.constant 0 : i32
    %broadcast_in_dim3A_409 = vector.broadcast %jit3A_408 : i32 to vector<16xi32>
    %select_n3A_410 = arith.select %and3A, %get3A_399, %broadcast_in_dim3A_409 : vector<16xi1>, vector<16xi32>
    tpu.vector_store_idx %arg10[%select_n3A_410, %select_n3A], %broadcast_in_dim3A_396 masked %and3A {add = true} : memref<32x32xi32, #tpu.memory_space<vmem>>[vector<16xi32>, vector<16xi32>], vector<16xi32>, vector<16xi1>
    tpu.vector_store_idx %arg11[%select_n3A_410, %get3A_401], %broadcast_in_dim3A_396 masked %and3A {add = true} : memref<32x16xi32, #tpu.memory_space<vmem>>[vector<16xi32>, vector<16xi32>], vector<16xi32>, vector<16xi1>
    %get3A_411 = arith.constant 16 : index
    %get3A_412 = tpu.vector_load %arg7[%get3A_411] {strides = array<i32>} : memref<128xi32, #tpu.memory_space<vmem>>, vector<16xi32>,
    %get3A_413 = arith.constant 16 : index
    %get3A_414 = tpu.vector_load %arg8[%get3A_413] {strides = array<i32>} : memref<128xi32, #tpu.memory_space<vmem>>, vector<16xi32>,
    %get3A_415 = arith.constant 16 : index
    %get3A_416 = tpu.vector_load %arg9[%get3A_415] {strides = array<i32>} : memref<128xi32, #tpu.memory_space<vmem>>, vector<16xi32>,
    %lt3A_417 = arith.constant 32 : i32
    %lt3A_418 = vector.broadcast %lt3A_417 : i32 to vector<16xi32>
    %lt3A_419 = arith.cmpi slt, %get3A_412, %lt3A_418 : vector<16xi32>
    %lt3A_420 = arith.constant 32 : i32
    %lt3A_421 = vector.broadcast %lt3A_420 : i32 to vector<16xi32>
    %lt3A_422 = arith.cmpi slt, %get3A_414, %lt3A_421 : vector<16xi32>
    %and3A_423 = arith.andi %lt3A_419, %lt3A_422 : vector<16xi1>
    %jit3A_424 = arith.constant 0 : i32
    %broadcast_in_dim3A_425 = vector.broadcast %jit3A_424 : i32 to vector<16xi32>
    %select_n3A_426 = arith.select %and3A_423, %get3A_412, %broadcast_in_dim3A_425 : vector<16xi1>, vector<16xi32>
    %jit3A_427 = arith.constant 0 : i32
    %broadcast_in_dim3A_428 = vector.broadcast %jit3A_427 : i32 to vector<16xi32>
    %select_n3A_429 = arith.select %and3A_423, %get3A_414, %broadcast_in_dim3A_428 : vector<16xi1>, vector<16xi32>
    tpu.vector_store_idx %arg10[%select_n3A_429, %select_n3A_426], %broadcast_in_dim3A_396 masked %and3A_423 {add = true} : memref<32x32xi32, #tpu.memory_space<vmem>>[vector<16xi32>, vector<16xi32>], vector<16xi32>, vector<16xi1>
    tpu.vector_store_idx %arg11[%select_n3A_429, %get3A_416], %broadcast_in_dim3A_396 masked %and3A_423 {add = true} : memref<32x16xi32, #tpu.memory_space<vmem>>[vector<16xi32>, vector<16xi32>], vector<16xi32>, vector<16xi1>
    %get3A_430 = arith.constant 32 : index
    %get3A_431 = tpu.vector_load %arg7[%get3A_430] {strides = array<i32>} : memref<128xi32, #tpu.memory_space<vmem>>, vector<16xi32>,
    %get3A_432 = arith.constant 32 : index
    %get3A_433 = tpu.vector_load %arg8[%get3A_432] {strides = array<i32>} : memref<128xi32, #tpu.memory_space<vmem>>, vector<16xi32>,
    %get3A_434 = arith.constant 32 : index
    %get3A_435 = tpu.vector_load %arg9[%get3A_434] {strides = array<i32>} : memref<128xi32, #tpu.memory_space<vmem>>, vector<16xi32>,
    %lt3A_436 = arith.constant 32 : i32
    %lt3A_437 = vector.broadcast %lt3A_436 : i32 to vector<16xi32>
    %lt3A_438 = arith.cmpi slt, %get3A_431, %lt3A_437 : vector<16xi32>
    %lt3A_439 = arith.constant 32 : i32
    %lt3A_440 = vector.broadcast %lt3A_439 : i32 to vector<16xi32>
    %lt3A_441 = arith.cmpi slt, %get3A_433, %lt3A_440 : vector<16xi32>
    %and3A_442 = arith.andi %lt3A_438, %lt3A_441 : vector<16xi1>
    %jit3A_443 = arith.constant 0 : i32
    %broadcast_in_dim3A_444 = vector.broadcast %jit3A_443 : i32 to vector<16xi32>
    %select_n3A_445 = arith.select %and3A_442, %get3A_431, %broadcast_in_dim3A_444 : vector<16xi1>, vector<16xi32>
    %jit3A_446 = arith.constant 0 : i32
    %broadcast_in_dim3A_447 = vector.broadcast %jit3A_446 : i32 to vector<16xi32>
    %select_n3A_448 = arith.select %and3A_442, %get3A_433, %broadcast_in_dim3A_447 : vector<16xi1>, vector<16xi32>
    tpu.vector_store_idx %arg10[%select_n3A_448, %select_n3A_445], %broadcast_in_dim3A_396 masked %and3A_442 {add = true} : memref<32x32xi32, #tpu.memory_space<vmem>>[vector<16xi32>, vector<16xi32>], vector<16xi32>, vector<16xi1>
    tpu.vector_store_idx %arg11[%select_n3A_448, %get3A_435], %broadcast_in_dim3A_396 masked %and3A_442 {add = true} : memref<32x16xi32, #tpu.memory_space<vmem>>[vector<16xi32>, vector<16xi32>], vector<16xi32>, vector<16xi1>
    %get3A_449 = arith.constant 48 : index
    %get3A_450 = tpu.vector_load %arg7[%get3A_449] {strides = array<i32>} : memref<128xi32, #tpu.memory_space<vmem>>, vector<16xi32>,
    %get3A_451 = arith.constant 48 : index
    %get3A_452 = tpu.vector_load %arg8[%get3A_451] {strides = array<i32>} : memref<128xi32, #tpu.memory_space<vmem>>, vector<16xi32>,
    %get3A_453 = arith.constant 48 : index
    %get3A_454 = tpu.vector_load %arg9[%get3A_453] {strides = array<i32>} : memref<128xi32, #tpu.memory_space<vmem>>, vector<16xi32>,
    %lt3A_455 = arith.constant 32 : i32
    %lt3A_456 = vector.broadcast %lt3A_455 : i32 to vector<16xi32>
    %lt3A_457 = arith.cmpi slt, %get3A_450, %lt3A_456 : vector<16xi32>
    %lt3A_458 = arith.constant 32 : i32
    %lt3A_459 = vector.broadcast %lt3A_458 : i32 to vector<16xi32>
    %lt3A_460 = arith.cmpi slt, %get3A_452, %lt3A_459 : vector<16xi32>
    %and3A_461 = arith.andi %lt3A_457, %lt3A_460 : vector<16xi1>
    %jit3A_462 = arith.constant 0 : i32
    %broadcast_in_dim3A_463 = vector.broadcast %jit3A_462 : i32 to vector<16xi32>
    %select_n3A_464 = arith.select %and3A_461, %get3A_450, %broadcast_in_dim3A_463 : vector<16xi1>, vector<16xi32>
    %jit3A_465 = arith.constant 0 : i32
    %broadcast_in_dim3A_466 = vector.broadcast %jit3A_465 : i32 to vector<16xi32>
    %select_n3A_467 = arith.select %and3A_461, %get3A_452, %broadcast_in_dim3A_466 : vector<16xi1>, vector<16xi32>
    tpu.vector_store_idx %arg10[%select_n3A_467, %select_n3A_464], %broadcast_in_dim3A_396 masked %and3A_461 {add = true} : memref<32x32xi32, #tpu.memory_space<vmem>>[vector<16xi32>, vector<16xi32>], vector<16xi32>, vector<16xi1>
    tpu.vector_store_idx %arg11[%select_n3A_467, %get3A_454], %broadcast_in_dim3A_396 masked %and3A_461 {add = true} : memref<32x16xi32, #tpu.memory_space<vmem>>[vector<16xi32>, vector<16xi32>], vector<16xi32>, vector<16xi1>
    %get3A_468 = arith.constant 64 : index
    %get3A_469 = tpu.vector_load %arg7[%get3A_468] {strides = array<i32>} : memref<128xi32, #tpu.memory_space<vmem>>, vector<16xi32>,
    %get3A_470 = arith.constant 64 : index
    %get3A_471 = tpu.vector_load %arg8[%get3A_470] {strides = array<i32>} : memref<128xi32, #tpu.memory_space<vmem>>, vector<16xi32>,
    %get3A_472 = arith.constant 64 : index
    %get3A_473 = tpu.vector_load %arg9[%get3A_472] {strides = array<i32>} : memref<128xi32, #tpu.memory_space<vmem>>, vector<16xi32>,
    %lt3A_474 = arith.constant 32 : i32
    %lt3A_475 = vector.broadcast %lt3A_474 : i32 to vector<16xi32>
    %lt3A_476 = arith.cmpi slt, %get3A_469, %lt3A_475 : vector<16xi32>
    %lt3A_477 = arith.constant 32 : i32
    %lt3A_478 = vector.broadcast %lt3A_477 : i32 to vector<16xi32>
    %lt3A_479 = arith.cmpi slt, %get3A_471, %lt3A_478 : vector<16xi32>
    %and3A_480 = arith.andi %lt3A_476, %lt3A_479 : vector<16xi1>
    %jit3A_481 = arith.constant 0 : i32
    %broadcast_in_dim3A_482 = vector.broadcast %jit3A_481 : i32 to vector<16xi32>
    %select_n3A_483 = arith.select %and3A_480, %get3A_469, %broadcast_in_dim3A_482 : vector<16xi1>, vector<16xi32>
    %jit3A_484 = arith.constant 0 : i32
    %broadcast_in_dim3A_485 = vector.broadcast %jit3A_484 : i32 to vector<16xi32>
    %select_n3A_486 = arith.select %and3A_480, %get3A_471, %broadcast_in_dim3A_485 : vector<16xi1>, vector<16xi32>
    tpu.vector_store_idx %arg10[%select_n3A_486, %select_n3A_483], %broadcast_in_dim3A_396 masked %and3A_480 {add = true} : memref<32x32xi32, #tpu.memory_space<vmem>>[vector<16xi32>, vector<16xi32>], vector<16xi32>, vector<16xi1>
    tpu.vector_store_idx %arg11[%select_n3A_486, %get3A_473], %broadcast_in_dim3A_396 masked %and3A_480 {add = true} : memref<32x16xi32, #tpu.memory_space<vmem>>[vector<16xi32>, vector<16xi32>], vector<16xi32>, vector<16xi1>
    %get3A_487 = arith.constant 80 : index
    %get3A_488 = tpu.vector_load %arg7[%get3A_487] {strides = array<i32>} : memref<128xi32, #tpu.memory_space<vmem>>, vector<16xi32>,
    %get3A_489 = arith.constant 80 : index
    %get3A_490 = tpu.vector_load %arg8[%get3A_489] {strides = array<i32>} : memref<128xi32, #tpu.memory_space<vmem>>, vector<16xi32>,
    %get3A_491 = arith.constant 80 : index
    %get3A_492 = tpu.vector_load %arg9[%get3A_491] {strides = array<i32>} : memref<128xi32, #tpu.memory_space<vmem>>, vector<16xi32>,
    %lt3A_493 = arith.constant 32 : i32
    %lt3A_494 = vector.broadcast %lt3A_493 : i32 to vector<16xi32>
    %lt3A_495 = arith.cmpi slt, %get3A_488, %lt3A_494 : vector<16xi32>
    %lt3A_496 = arith.constant 32 : i32
    %lt3A_497 = vector.broadcast %lt3A_496 : i32 to vector<16xi32>
    %lt3A_498 = arith.cmpi slt, %get3A_490, %lt3A_497 : vector<16xi32>
    %and3A_499 = arith.andi %lt3A_495, %lt3A_498 : vector<16xi1>
    %jit3A_500 = arith.constant 0 : i32
    %broadcast_in_dim3A_501 = vector.broadcast %jit3A_500 : i32 to vector<16xi32>
    %select_n3A_502 = arith.select %and3A_499, %get3A_488, %broadcast_in_dim3A_501 : vector<16xi1>, vector<16xi32>
    %jit3A_503 = arith.constant 0 : i32
    %broadcast_in_dim3A_504 = vector.broadcast %jit3A_503 : i32 to vector<16xi32>
    %select_n3A_505 = arith.select %and3A_499, %get3A_490, %broadcast_in_dim3A_504 : vector<16xi1>, vector<16xi32>
    tpu.vector_store_idx %arg10[%select_n3A_505, %select_n3A_502], %broadcast_in_dim3A_396 masked %and3A_499 {add = true} : memref<32x32xi32, #tpu.memory_space<vmem>>[vector<16xi32>, vector<16xi32>], vector<16xi32>, vector<16xi1>
    tpu.vector_store_idx %arg11[%select_n3A_505, %get3A_492], %broadcast_in_dim3A_396 masked %and3A_499 {add = true} : memref<32x16xi32, #tpu.memory_space<vmem>>[vector<16xi32>, vector<16xi32>], vector<16xi32>, vector<16xi1>
    %get3A_506 = arith.constant 96 : index
    %get3A_507 = tpu.vector_load %arg7[%get3A_506] {strides = array<i32>} : memref<128xi32, #tpu.memory_space<vmem>>, vector<16xi32>,
    %get3A_508 = arith.constant 96 : index
    %get3A_509 = tpu.vector_load %arg8[%get3A_508] {strides = array<i32>} : memref<128xi32, #tpu.memory_space<vmem>>, vector<16xi32>,
    %get3A_510 = arith.constant 96 : index
    %get3A_511 = tpu.vector_load %arg9[%get3A_510] {strides = array<i32>} : memref<128xi32, #tpu.memory_space<vmem>>, vector<16xi32>,
    %lt3A_512 = arith.constant 32 : i32
    %lt3A_513 = vector.broadcast %lt3A_512 : i32 to vector<16xi32>
    %lt3A_514 = arith.cmpi slt, %get3A_507, %lt3A_513 : vector<16xi32>
    %lt3A_515 = arith.constant 32 : i32
    %lt3A_516 = vector.broadcast %lt3A_515 : i32 to vector<16xi32>
    %lt3A_517 = arith.cmpi slt, %get3A_509, %lt3A_516 : vector<16xi32>
    %and3A_518 = arith.andi %lt3A_514, %lt3A_517 : vector<16xi1>
    %jit3A_519 = arith.constant 0 : i32
    %broadcast_in_dim3A_520 = vector.broadcast %jit3A_519 : i32 to vector<16xi32>
    %select_n3A_521 = arith.select %and3A_518, %get3A_507, %broadcast_in_dim3A_520 : vector<16xi1>, vector<16xi32>
    %jit3A_522 = arith.constant 0 : i32
    %broadcast_in_dim3A_523 = vector.broadcast %jit3A_522 : i32 to vector<16xi32>
    %select_n3A_524 = arith.select %and3A_518, %get3A_509, %broadcast_in_dim3A_523 : vector<16xi1>, vector<16xi32>
    tpu.vector_store_idx %arg10[%select_n3A_524, %select_n3A_521], %broadcast_in_dim3A_396 masked %and3A_518 {add = true} : memref<32x32xi32, #tpu.memory_space<vmem>>[vector<16xi32>, vector<16xi32>], vector<16xi32>, vector<16xi1>
    tpu.vector_store_idx %arg11[%select_n3A_524, %get3A_511], %broadcast_in_dim3A_396 masked %and3A_518 {add = true} : memref<32x16xi32, #tpu.memory_space<vmem>>[vector<16xi32>, vector<16xi32>], vector<16xi32>, vector<16xi1>
    %get3A_525 = arith.constant 112 : index
    %get3A_526 = tpu.vector_load %arg7[%get3A_525] {strides = array<i32>} : memref<128xi32, #tpu.memory_space<vmem>>, vector<16xi32>,
    %get3A_527 = arith.constant 112 : index
    %get3A_528 = tpu.vector_load %arg8[%get3A_527] {strides = array<i32>} : memref<128xi32, #tpu.memory_space<vmem>>, vector<16xi32>,
    %get3A_529 = arith.constant 112 : index
    %get3A_530 = tpu.vector_load %arg9[%get3A_529] {strides = array<i32>} : memref<128xi32, #tpu.memory_space<vmem>>, vector<16xi32>,
    %lt3A_531 = arith.constant 32 : i32
    %lt3A_532 = vector.broadcast %lt3A_531 : i32 to vector<16xi32>
    %lt3A_533 = arith.cmpi slt, %get3A_526, %lt3A_532 : vector<16xi32>
    %lt3A_534 = arith.constant 32 : i32
    %lt3A_535 = vector.broadcast %lt3A_534 : i32 to vector<16xi32>
    %lt3A_536 = arith.cmpi slt, %get3A_528, %lt3A_535 : vector<16xi32>
    %and3A_537 = arith.andi %lt3A_533, %lt3A_536 : vector<16xi1>
    %jit3A_538 = arith.constant 0 : i32
    %broadcast_in_dim3A_539 = vector.broadcast %jit3A_538 : i32 to vector<16xi32>
    %select_n3A_540 = arith.select %and3A_537, %get3A_526, %broadcast_in_dim3A_539 : vector<16xi1>, vector<16xi32>
    %jit3A_541 = arith.constant 0 : i32
    %broadcast_in_dim3A_542 = vector.broadcast %jit3A_541 : i32 to vector<16xi32>
    %select_n3A_543 = arith.select %and3A_537, %get3A_528, %broadcast_in_dim3A_542 : vector<16xi1>, vector<16xi32>
    tpu.vector_store_idx %arg10[%select_n3A_543, %select_n3A_540], %broadcast_in_dim3A_396 masked %and3A_537 {add = true} : memref<32x32xi32, #tpu.memory_space<vmem>>[vector<16xi32>, vector<16xi32>], vector<16xi32>, vector<16xi1>
    tpu.vector_store_idx %arg11[%select_n3A_543, %get3A_530], %broadcast_in_dim3A_396 masked %and3A_537 {add = true} : memref<32x16xi32, #tpu.memory_space<vmem>>[vector<16xi32>, vector<16xi32>], vector<16xi32>, vector<16xi1>
    %dma_start3A_544 = arith.constant 0 : i32
    %dma_start3A_545 = arith.constant 0 : i32
    %dma_start3A_546 = tpu.memref_slice %arg5[%arg1, %dma_start3A_544, %dma_start3A_545] : memref<16x32x32xi32, #tpu.memory_space<hbm>> -> memref<1x32x32xi32, #tpu.memory_space<hbm>>
    %dma_start3A_547 = tpu.memref_squeeze %dma_start3A_546 : memref<1x32x32xi32, #tpu.memory_space<hbm>> -> memref<32x32xi32, #tpu.memory_space<hbm>>
    %dma_start3A_548 = arith.constant 0 : i32
    %dma_start3A_549 = arith.constant 0 : i32
    %dma_start3A_550 = tpu.memref_slice %arg5[%arg1, %dma_start3A_548, %dma_start3A_549] : memref<16x32x32xi32, #tpu.memory_space<hbm>> -> memref<1x32x32xi32, #tpu.memory_space<hbm>>
    %dma_start3A_551 = tpu.memref_squeeze %dma_start3A_550 : memref<1x32x32xi32, #tpu.memory_space<hbm>> -> memref<32x32xi32, #tpu.memory_space<hbm>>
    tpu.enqueue_dma source(%arg10 : memref<32x32xi32, #tpu.memory_space<vmem>>) target(%dma_start3A_551 : memref<32x32xi32, #tpu.memory_space<hbm>>) target_semaphore(%arg12 : memref<!tpu.dma_semaphore, #tpu.memory_space<semaphore_mem>>)
    %dma_start3A_552 = arith.constant 0 : i32
    %dma_start3A_553 = arith.constant 0 : i32
    %dma_start3A_554 = tpu.memref_slice %arg6[%arg1, %dma_start3A_552, %dma_start3A_553] : memref<16x32x16xi32, #tpu.memory_space<hbm>> -> memref<1x32x16xi32, #tpu.memory_space<hbm>>
    %dma_start3A_555 = tpu.memref_squeeze %dma_start3A_554 : memref<1x32x16xi32, #tpu.memory_space<hbm>> -> memref<32x16xi32, #tpu.memory_space<hbm>>
    %dma_start3A_556 = arith.constant 0 : i32
    %dma_start3A_557 = arith.constant 0 : i32
    %dma_start3A_558 = tpu.memref_slice %arg6[%arg1, %dma_start3A_556, %dma_start3A_557] : memref<16x32x16xi32, #tpu.memory_space<hbm>> -> memref<1x32x16xi32, #tpu.memory_space<hbm>>
    %dma_start3A_559 = tpu.memref_squeeze %dma_start3A_558 : memref<1x32x16xi32, #tpu.memory_space<hbm>> -> memref<32x16xi32, #tpu.memory_space<hbm>>
    tpu.enqueue_dma source(%arg11 : memref<32x16xi32, #tpu.memory_space<vmem>>) target(%dma_start3A_559 : memref<32x16xi32, #tpu.memory_space<hbm>>) target_semaphore(%arg12 : memref<!tpu.dma_semaphore, #tpu.memory_space<semaphore_mem>>)
    %dma_wait3A_560 = arith.constant 0 : i32
    %dma_wait3A_561 = arith.constant 0 : i32
    %dma_wait3A_562 = tpu.memref_slice %arg5[%arg1, %dma_wait3A_560, %dma_wait3A_561] : memref<16x32x32xi32, #tpu.memory_space<hbm>> -> memref<1x32x32xi32, #tpu.memory_space<hbm>>
    %dma_wait3A_563 = tpu.memref_squeeze %dma_wait3A_562 : memref<1x32x32xi32, #tpu.memory_space<hbm>> -> memref<32x32xi32, #tpu.memory_space<hbm>>
    %dma_wait3A_564 = arith.constant 0 : i32
    %dma_wait3A_565 = arith.constant 0 : i32
    %dma_wait3A_566 = tpu.memref_slice %arg5[%arg1, %dma_wait3A_564, %dma_wait3A_565] : memref<16x32x32xi32, #tpu.memory_space<hbm>> -> memref<1x32x32xi32, #tpu.memory_space<hbm>>
    %dma_wait3A_567 = tpu.memref_squeeze %dma_wait3A_566 : memref<1x32x32xi32, #tpu.memory_space<hbm>> -> memref<32x32xi32, #tpu.memory_space<hbm>>
    tpu.wait_dma2 semaphore(%arg12 : memref<!tpu.dma_semaphore, #tpu.memory_space<semaphore_mem>>) src(%arg10 : memref<32x32xi32, #tpu.memory_space<vmem>>) dst(%dma_wait3A_567 : memref<32x32xi32, #tpu.memory_space<hbm>>)
    %dma_wait3A_568 = arith.constant 0 : i32
    %dma_wait3A_569 = arith.constant 0 : i32
    %dma_wait3A_570 = tpu.memref_slice %arg6[%arg1, %dma_wait3A_568, %dma_wait3A_569] : memref<16x32x16xi32, #tpu.memory_space<hbm>> -> memref<1x32x16xi32, #tpu.memory_space<hbm>>
    %dma_wait3A_571 = tpu.memref_squeeze %dma_wait3A_570 : memref<1x32x16xi32, #tpu.memory_space<hbm>> -> memref<32x16xi32, #tpu.memory_space<hbm>>
    %dma_wait3A_572 = arith.constant 0 : i32
    %dma_wait3A_573 = arith.constant 0 : i32
    %dma_wait3A_574 = tpu.memref_slice %arg6[%arg1, %dma_wait3A_572, %dma_wait3A_573] : memref<16x32x16xi32, #tpu.memory_space<hbm>> -> memref<1x32x16xi32, #tpu.memory_space<hbm>>
    %dma_wait3A_575 = tpu.memref_squeeze %dma_wait3A_574 : memref<1x32x16xi32, #tpu.memory_space<hbm>> -> memref<32x16xi32, #tpu.memory_space<hbm>>
    tpu.wait_dma2 semaphore(%arg12 : memref<!tpu.dma_semaphore, #tpu.memory_space<semaphore_mem>>) src(%arg11 : memref<32x16xi32, #tpu.memory_space<vmem>>) dst(%dma_wait3A_575 : memref<32x16xi32, #tpu.memory_space<hbm>>)
    return
  }
}

module attributes {stable_mosaic.version = 14 : i64} {
  func.func @_tc_body(%arg0: memref<16x32x32xi32, #tpu.memory_space<vmem>>, %arg1: memref<16x32x16xi32, #tpu.memory_space<vmem>>, %arg2: memref<32x1xi32, #tpu.memory_space<vmem>>, %arg3: memref<32x1xi32, #tpu.memory_space<vmem>>, %arg4: memref<20x128xf32, #tpu.memory_space<vmem>>, %arg5: memref<6x128xf32, #tpu.memory_space<vmem>>, %arg6: memref<6x128xf32, #tpu.memory_space<vmem>>, %arg7: memref<384x128xf32, #tpu.memory_space<vmem>>, %arg8: memref<384x128xf32, #tpu.memory_space<vmem>>, %arg9: memref<1x384xf32, #tpu.memory_space<vmem>>, %arg10: memref<1x384xf32, #tpu.memory_space<vmem>>, %arg11: memref<1x128xf32, #tpu.memory_space<vmem>>, %arg12: memref<1x128xf32, #tpu.memory_space<vmem>>, %arg13: memref<128x256xf32, #tpu.memory_space<vmem>>, %arg14: memref<1x128xf32, #tpu.memory_space<vmem>>, %arg15: memref<1x128xf32, #tpu.memory_space<vmem>>, %arg16: memref<1x128xf32, #tpu.memory_space<vmem>>, %arg17: memref<1x128xf32, #tpu.memory_space<vmem>>, %arg18: memref<1x128xf32, #tpu.memory_space<vmem>>, %arg19: memref<1x1xf32, #tpu.memory_space<vmem>>) attributes {dimension_semantics = [], scalar_prefetch = 0 : i64, scratch_operands = 0 : i64, tpu.core_type = #tpu.core_type<tc>} {
    %get3A = arith.constant 0 : index
    %get3A_0 = arith.constant 0 : index
    %get3A_1 = arith.constant 0 : index
    %get3A_2 = vector.load %arg0[%get3A, %get3A_0, %get3A_1] : memref<16x32x32xi32, #tpu.memory_space<vmem>>, vector<16x32x32xi32>
    %reduce_sum3A = arith.constant dense<0> : vector<32x32xi32>
    %reduce_sum3A_3 = vector.multi_reduction <add>, %get3A_2, %reduce_sum3A [0] : vector<16x32x32xi32> to vector<32x32xi32>
    %convert_element_type3A = arith.sitofp %reduce_sum3A_3 : vector<32x32xi32> to vector<32x32xf32>
    %get3A_4 = arith.constant 0 : index
    %get3A_5 = arith.constant 0 : index
    %get3A_6 = arith.constant 0 : index
    %get3A_7 = vector.load %arg1[%get3A_4, %get3A_5, %get3A_6] : memref<16x32x16xi32, #tpu.memory_space<vmem>>, vector<16x32x16xi32>
    %reduce_sum3A_8 = arith.constant dense<0> : vector<32x16xi32>
    %reduce_sum3A_9 = vector.multi_reduction <add>, %get3A_7, %reduce_sum3A_8 [0] : vector<16x32x16xi32> to vector<32x16xi32>
    %convert_element_type3A_10 = arith.sitofp %reduce_sum3A_9 : vector<32x16xi32> to vector<32x16xf32>
    %slice3A = vector.extract_strided_slice %convert_element_type3A_10 {offsets = [0, 0], sizes = [32, 6], strides = [1, 1]} : vector<32x16xf32> to vector<32x6xf32>
    %get3A_11 = arith.constant 0 : index
    %get3A_12 = arith.constant 0 : index
    %get3A_13 = vector.load %arg6[%get3A_11, %get3A_12] : memref<6x128xf32, #tpu.memory_space<vmem>>, vector<6x128xf32>
    %dot_general3A = arith.constant dense<0.000000e+00> : vector<32x128xf32>
    %dot_general3A_14 = tpu.matmul %slice3A, %get3A_13, %dot_general3A {dimension_numbers = #tpu.dot_dimension_numbers<[1], [0], [0], [1], [0, 0, 1, 1], [], []>, transpose_lhs_hint = false} : vector<32x6xf32>, vector<6x128xf32>, vector<32x128xf32> -> vector<32x128xf32>
    %reduce_sum3A_15 = arith.constant dense<0.000000e+00> : vector<32xf32>
    %reduce_sum3A_16 = vector.multi_reduction <add>, %convert_element_type3A, %reduce_sum3A_15 [1] : vector<32x32xf32> to vector<32xf32>
    %broadcast_in_dim3A = vector.shape_cast %reduce_sum3A_16 : vector<32xf32> to vector<32x1xf32>
    %max3A = arith.constant 1.000000e+00 : f32
    %max3A_17 = vector.broadcast %max3A : f32 to vector<32x1xf32>
    %max3A_18 = arith.maximumf %broadcast_in_dim3A, %max3A_17 : vector<32x1xf32>
    %get3A_19 = arith.constant 0 : index
    %get3A_20 = arith.constant 0 : index
    %get3A_21 = vector.load %arg2[%get3A_19, %get3A_20] : memref<32x1xi32, #tpu.memory_space<vmem>>, vector<32x1xi32>
    %get3A_22 = arith.constant 0 : index
    %get3A_23 = arith.constant 0 : index
    %get3A_24 = vector.load %arg3[%get3A_22, %get3A_23] : memref<32x1xi32, #tpu.memory_space<vmem>>, vector<32x1xi32>
    %iota3A = tpu.iota {dimensions = array<i32: 1>} : vector<32x20xi32>
    %eq3A = vector.broadcast %get3A_21 : vector<32x1xi32> to vector<32x20xi32>
    %eq3A_25 = arith.cmpi eq, %eq3A, %iota3A : vector<32x20xi32>
    %convert_element_type3A_26 = arith.extui %eq3A_25 : vector<32x20xi1> to vector<32x20xi32>
    %convert_element_type3A_27 = arith.sitofp %convert_element_type3A_26 : vector<32x20xi32> to vector<32x20xf32>
    %iota3A_28 = tpu.iota {dimensions = array<i32: 1>} : vector<32x6xi32>
    %eq3A_29 = vector.broadcast %get3A_24 : vector<32x1xi32> to vector<32x6xi32>
    %eq3A_30 = arith.cmpi eq, %eq3A_29, %iota3A_28 : vector<32x6xi32>
    %convert_element_type3A_31 = arith.extui %eq3A_30 : vector<32x6xi1> to vector<32x6xi32>
    %convert_element_type3A_32 = arith.sitofp %convert_element_type3A_31 : vector<32x6xi32> to vector<32x6xf32>
    %get3A_33 = arith.constant 0 : index
    %get3A_34 = arith.constant 0 : index
    %get3A_35 = vector.load %arg4[%get3A_33, %get3A_34] : memref<20x128xf32, #tpu.memory_space<vmem>>, vector<20x128xf32>
    %dot_general3A_36 = arith.constant dense<0.000000e+00> : vector<32x128xf32>
    %dot_general3A_37 = tpu.matmul %convert_element_type3A_27, %get3A_35, %dot_general3A_36 {dimension_numbers = #tpu.dot_dimension_numbers<[1], [0], [0], [1], [0, 0, 1, 1], [], []>, transpose_lhs_hint = false} : vector<32x20xf32>, vector<20x128xf32>, vector<32x128xf32> -> vector<32x128xf32>
    %get3A_38 = arith.constant 0 : index
    %get3A_39 = arith.constant 0 : index
    %get3A_40 = vector.load %arg5[%get3A_38, %get3A_39] : memref<6x128xf32, #tpu.memory_space<vmem>>, vector<6x128xf32>
    %dot_general3A_41 = arith.constant dense<0.000000e+00> : vector<32x128xf32>
    %dot_general3A_42 = tpu.matmul %convert_element_type3A_32, %get3A_40, %dot_general3A_41 {dimension_numbers = #tpu.dot_dimension_numbers<[1], [0], [0], [1], [0, 0, 1, 1], [], []>, transpose_lhs_hint = false} : vector<32x6xf32>, vector<6x128xf32>, vector<32x128xf32> -> vector<32x128xf32>
    %add3A = arith.addf %dot_general3A_37, %dot_general3A_42 : vector<32x128xf32>
    %get3A_43 = arith.constant 0 : index
    %get3A_44 = arith.constant 0 : index
    %get3A_45 = vector.load %arg7[%get3A_43, %get3A_44] : memref<384x128xf32, #tpu.memory_space<vmem>>, vector<384x128xf32>
    %get3A_46 = arith.constant 0 : index
    %get3A_47 = arith.constant 0 : index
    %get3A_48 = vector.load %arg8[%get3A_46, %get3A_47] : memref<384x128xf32, #tpu.memory_space<vmem>>, vector<384x128xf32>
    %get3A_49 = arith.constant 0 : index
    %get3A_50 = arith.constant 0 : index
    %get3A_51 = vector.load %arg9[%get3A_49, %get3A_50] : memref<1x384xf32, #tpu.memory_space<vmem>>, vector<1x384xf32>
    %get3A_52 = arith.constant 0 : index
    %get3A_53 = arith.constant 0 : index
    %get3A_54 = vector.load %arg10[%get3A_52, %get3A_53] : memref<1x384xf32, #tpu.memory_space<vmem>>, vector<1x384xf32>
    %get3A_55 = arith.constant 0 : index
    %get3A_56 = arith.constant 0 : index
    %get3A_57 = vector.load %arg11[%get3A_55, %get3A_56] : memref<1x128xf32, #tpu.memory_space<vmem>>, vector<1x128xf32>
    %get3A_58 = arith.constant 0 : index
    %get3A_59 = arith.constant 0 : index
    %get3A_60 = vector.load %arg12[%get3A_58, %get3A_59] : memref<1x128xf32, #tpu.memory_space<vmem>>, vector<1x128xf32>
    %dot_general3A_61 = arith.constant dense<0.000000e+00> : vector<32x128xf32>
    %dot_general3A_62 = tpu.matmul %convert_element_type3A, %add3A, %dot_general3A_61 {dimension_numbers = #tpu.dot_dimension_numbers<[1], [0], [0], [1], [0, 0, 1, 1], [], []>, transpose_lhs_hint = false} : vector<32x32xf32>, vector<32x128xf32>, vector<32x128xf32> -> vector<32x128xf32>
    %add3A_63 = arith.addf %dot_general3A_62, %dot_general3A_14 : vector<32x128xf32>
    %div3A = vector.broadcast %max3A_18 : vector<32x1xf32> to vector<32x128xf32>
    %div3A_64 = arith.divf %add3A_63, %div3A : vector<32x128xf32>
    %dot_general3A_65 = arith.constant dense<0.000000e+00> : vector<32x384xf32>
    %dot_general3A_66 = tpu.matmul %div3A_64, %get3A_45, %dot_general3A_65 {dimension_numbers = #tpu.dot_dimension_numbers<[1], [1], [0], [0], [0, 0, 1, 0], [], []>, transpose_lhs_hint = false} : vector<32x128xf32>, vector<384x128xf32>, vector<32x384xf32> -> vector<32x384xf32>
    %add3A_67 = vector.broadcast %get3A_51 : vector<1x384xf32> to vector<32x384xf32>
    %add3A_68 = arith.addf %dot_general3A_66, %add3A_67 : vector<32x384xf32>
    %dot_general3A_69 = arith.constant dense<0.000000e+00> : vector<32x384xf32>
    %dot_general3A_70 = tpu.matmul %add3A, %get3A_48, %dot_general3A_69 {dimension_numbers = #tpu.dot_dimension_numbers<[1], [1], [0], [0], [0, 0, 1, 0], [], []>, transpose_lhs_hint = false} : vector<32x128xf32>, vector<384x128xf32>, vector<32x384xf32> -> vector<32x384xf32>
    %add3A_71 = vector.broadcast %get3A_54 : vector<1x384xf32> to vector<32x384xf32>
    %add3A_72 = arith.addf %dot_general3A_70, %add3A_71 : vector<32x384xf32>
    %slice3A_73 = vector.extract_strided_slice %add3A_68 {offsets = [0, 0], sizes = [32, 128], strides = [1, 1]} : vector<32x384xf32> to vector<32x128xf32>
    %slice3A_74 = vector.extract_strided_slice %add3A_72 {offsets = [0, 0], sizes = [32, 128], strides = [1, 1]} : vector<32x384xf32> to vector<32x128xf32>
    %add3A_75 = arith.addf %slice3A_73, %slice3A_74 : vector<32x128xf32>
    %logistic3A = arith.negf %add3A_75 : vector<32x128xf32>
    %logistic3A_76 = math.exp %logistic3A : vector<32x128xf32>
    %logistic3A_77 = arith.constant 1.000000e+00 : f32
    %logistic3A_78 = vector.broadcast %logistic3A_77 : f32 to vector<32x128xf32>
    %logistic3A_79 = arith.addf %logistic3A_78, %logistic3A_76 : vector<32x128xf32>
    %logistic3A_80 = arith.divf %logistic3A_78, %logistic3A_79 : vector<32x128xf32>
    %slice3A_81 = vector.extract_strided_slice %add3A_68 {offsets = [0, 128], sizes = [32, 128], strides = [1, 1]} : vector<32x384xf32> to vector<32x128xf32>
    %slice3A_82 = vector.extract_strided_slice %add3A_72 {offsets = [0, 128], sizes = [32, 128], strides = [1, 1]} : vector<32x384xf32> to vector<32x128xf32>
    %add3A_83 = arith.addf %slice3A_81, %slice3A_82 : vector<32x128xf32>
    %logistic3A_84 = arith.negf %add3A_83 : vector<32x128xf32>
    %logistic3A_85 = math.exp %logistic3A_84 : vector<32x128xf32>
    %logistic3A_86 = arith.constant 1.000000e+00 : f32
    %logistic3A_87 = vector.broadcast %logistic3A_86 : f32 to vector<32x128xf32>
    %logistic3A_88 = arith.addf %logistic3A_87, %logistic3A_85 : vector<32x128xf32>
    %logistic3A_89 = arith.divf %logistic3A_87, %logistic3A_88 : vector<32x128xf32>
    %slice3A_90 = vector.extract_strided_slice %add3A_68 {offsets = [0, 256], sizes = [32, 128], strides = [1, 1]} : vector<32x384xf32> to vector<32x128xf32>
    %slice3A_91 = vector.extract_strided_slice %add3A_72 {offsets = [0, 256], sizes = [32, 128], strides = [1, 1]} : vector<32x384xf32> to vector<32x128xf32>
    %mul3A = arith.mulf %logistic3A_80, %slice3A_91 : vector<32x128xf32>
    %add3A_92 = arith.addf %slice3A_90, %mul3A : vector<32x128xf32>
    %tanh3A = math.tanh %add3A_92 : vector<32x128xf32>
    %sub3A = arith.constant 1.000000e+00 : f32
    %sub3A_93 = vector.broadcast %sub3A : f32 to vector<32x128xf32>
    %sub3A_94 = arith.subf %sub3A_93, %logistic3A_89 : vector<32x128xf32>
    %mul3A_95 = arith.mulf %sub3A_94, %tanh3A : vector<32x128xf32>
    %mul3A_96 = arith.mulf %logistic3A_89, %add3A : vector<32x128xf32>
    %add3A_97 = arith.addf %mul3A_95, %mul3A_96 : vector<32x128xf32>
    %slice3A_98 = vector.extract_strided_slice %add3A_97 {offsets = [0, 0], sizes = [32, 8], strides = [1, 1]} : vector<32x128xf32> to vector<32x8xf32>
    %slice3A_99 = vector.extract_strided_slice %add3A_97 {offsets = [0, 8], sizes = [32, 8], strides = [1, 1]} : vector<32x128xf32> to vector<32x8xf32>
    %add3A_100 = arith.addf %slice3A_98, %slice3A_99 : vector<32x8xf32>
    %slice3A_101 = vector.extract_strided_slice %add3A_97 {offsets = [0, 16], sizes = [32, 8], strides = [1, 1]} : vector<32x128xf32> to vector<32x8xf32>
    %add3A_102 = arith.addf %add3A_100, %slice3A_101 : vector<32x8xf32>
    %slice3A_103 = vector.extract_strided_slice %add3A_97 {offsets = [0, 24], sizes = [32, 8], strides = [1, 1]} : vector<32x128xf32> to vector<32x8xf32>
    %add3A_104 = arith.addf %add3A_102, %slice3A_103 : vector<32x8xf32>
    %slice3A_105 = vector.extract_strided_slice %add3A_97 {offsets = [0, 32], sizes = [32, 8], strides = [1, 1]} : vector<32x128xf32> to vector<32x8xf32>
    %add3A_106 = arith.addf %add3A_104, %slice3A_105 : vector<32x8xf32>
    %slice3A_107 = vector.extract_strided_slice %add3A_97 {offsets = [0, 40], sizes = [32, 8], strides = [1, 1]} : vector<32x128xf32> to vector<32x8xf32>
    %add3A_108 = arith.addf %add3A_106, %slice3A_107 : vector<32x8xf32>
    %slice3A_109 = vector.extract_strided_slice %add3A_97 {offsets = [0, 48], sizes = [32, 8], strides = [1, 1]} : vector<32x128xf32> to vector<32x8xf32>
    %add3A_110 = arith.addf %add3A_108, %slice3A_109 : vector<32x8xf32>
    %slice3A_111 = vector.extract_strided_slice %add3A_97 {offsets = [0, 56], sizes = [32, 8], strides = [1, 1]} : vector<32x128xf32> to vector<32x8xf32>
    %add3A_112 = arith.addf %add3A_110, %slice3A_111 : vector<32x8xf32>
    %slice3A_113 = vector.extract_strided_slice %add3A_97 {offsets = [0, 64], sizes = [32, 8], strides = [1, 1]} : vector<32x128xf32> to vector<32x8xf32>
    %add3A_114 = arith.addf %add3A_112, %slice3A_113 : vector<32x8xf32>
    %slice3A_115 = vector.extract_strided_slice %add3A_97 {offsets = [0, 72], sizes = [32, 8], strides = [1, 1]} : vector<32x128xf32> to vector<32x8xf32>
    %add3A_116 = arith.addf %add3A_114, %slice3A_115 : vector<32x8xf32>
    %slice3A_117 = vector.extract_strided_slice %add3A_97 {offsets = [0, 80], sizes = [32, 8], strides = [1, 1]} : vector<32x128xf32> to vector<32x8xf32>
    %add3A_118 = arith.addf %add3A_116, %slice3A_117 : vector<32x8xf32>
    %slice3A_119 = vector.extract_strided_slice %add3A_97 {offsets = [0, 88], sizes = [32, 8], strides = [1, 1]} : vector<32x128xf32> to vector<32x8xf32>
    %add3A_120 = arith.addf %add3A_118, %slice3A_119 : vector<32x8xf32>
    %slice3A_121 = vector.extract_strided_slice %add3A_97 {offsets = [0, 96], sizes = [32, 8], strides = [1, 1]} : vector<32x128xf32> to vector<32x8xf32>
    %add3A_122 = arith.addf %add3A_120, %slice3A_121 : vector<32x8xf32>
    %slice3A_123 = vector.extract_strided_slice %add3A_97 {offsets = [0, 104], sizes = [32, 8], strides = [1, 1]} : vector<32x128xf32> to vector<32x8xf32>
    %add3A_124 = arith.addf %add3A_122, %slice3A_123 : vector<32x8xf32>
    %slice3A_125 = vector.extract_strided_slice %add3A_97 {offsets = [0, 112], sizes = [32, 8], strides = [1, 1]} : vector<32x128xf32> to vector<32x8xf32>
    %add3A_126 = arith.addf %add3A_124, %slice3A_125 : vector<32x8xf32>
    %slice3A_127 = vector.extract_strided_slice %add3A_97 {offsets = [0, 120], sizes = [32, 8], strides = [1, 1]} : vector<32x128xf32> to vector<32x8xf32>
    %add3A_128 = arith.addf %add3A_126, %slice3A_127 : vector<32x8xf32>
    %slice3A_129 = vector.extract_strided_slice %add3A_128 {offsets = [0, 0], sizes = [32, 4], strides = [1, 1]} : vector<32x8xf32> to vector<32x4xf32>
    %slice3A_130 = vector.extract_strided_slice %add3A_128 {offsets = [0, 4], sizes = [32, 4], strides = [1, 1]} : vector<32x8xf32> to vector<32x4xf32>
    %add3A_131 = arith.addf %slice3A_129, %slice3A_130 : vector<32x4xf32>
    %slice3A_132 = vector.extract_strided_slice %add3A_131 {offsets = [0, 0], sizes = [32, 2], strides = [1, 1]} : vector<32x4xf32> to vector<32x2xf32>
    %slice3A_133 = vector.extract_strided_slice %add3A_131 {offsets = [0, 2], sizes = [32, 2], strides = [1, 1]} : vector<32x4xf32> to vector<32x2xf32>
    %add3A_134 = arith.addf %slice3A_132, %slice3A_133 : vector<32x2xf32>
    %slice3A_135 = vector.extract_strided_slice %add3A_134 {offsets = [0, 0], sizes = [32, 1], strides = [1, 1]} : vector<32x2xf32> to vector<32x1xf32>
    %slice3A_136 = vector.extract_strided_slice %add3A_134 {offsets = [0, 1], sizes = [32, 1], strides = [1, 1]} : vector<32x2xf32> to vector<32x1xf32>
    %add3A_137 = arith.addf %slice3A_135, %slice3A_136 : vector<32x1xf32>
    %mul3A_138 = arith.constant 7.812500e-03 : f32
    %mul3A_139 = vector.broadcast %mul3A_138 : f32 to vector<32x1xf32>
    %mul3A_140 = arith.mulf %add3A_137, %mul3A_139 : vector<32x1xf32>
    %sub3A_141 = vector.broadcast %mul3A_140 : vector<32x1xf32> to vector<32x128xf32>
    %sub3A_142 = arith.subf %add3A_97, %sub3A_141 : vector<32x128xf32>
    %mul3A_143 = arith.mulf %sub3A_142, %sub3A_142 : vector<32x128xf32>
    %slice3A_144 = vector.extract_strided_slice %mul3A_143 {offsets = [0, 0], sizes = [32, 8], strides = [1, 1]} : vector<32x128xf32> to vector<32x8xf32>
    %slice3A_145 = vector.extract_strided_slice %mul3A_143 {offsets = [0, 8], sizes = [32, 8], strides = [1, 1]} : vector<32x128xf32> to vector<32x8xf32>
    %add3A_146 = arith.addf %slice3A_144, %slice3A_145 : vector<32x8xf32>
    %slice3A_147 = vector.extract_strided_slice %mul3A_143 {offsets = [0, 16], sizes = [32, 8], strides = [1, 1]} : vector<32x128xf32> to vector<32x8xf32>
    %add3A_148 = arith.addf %add3A_146, %slice3A_147 : vector<32x8xf32>
    %slice3A_149 = vector.extract_strided_slice %mul3A_143 {offsets = [0, 24], sizes = [32, 8], strides = [1, 1]} : vector<32x128xf32> to vector<32x8xf32>
    %add3A_150 = arith.addf %add3A_148, %slice3A_149 : vector<32x8xf32>
    %slice3A_151 = vector.extract_strided_slice %mul3A_143 {offsets = [0, 32], sizes = [32, 8], strides = [1, 1]} : vector<32x128xf32> to vector<32x8xf32>
    %add3A_152 = arith.addf %add3A_150, %slice3A_151 : vector<32x8xf32>
    %slice3A_153 = vector.extract_strided_slice %mul3A_143 {offsets = [0, 40], sizes = [32, 8], strides = [1, 1]} : vector<32x128xf32> to vector<32x8xf32>
    %add3A_154 = arith.addf %add3A_152, %slice3A_153 : vector<32x8xf32>
    %slice3A_155 = vector.extract_strided_slice %mul3A_143 {offsets = [0, 48], sizes = [32, 8], strides = [1, 1]} : vector<32x128xf32> to vector<32x8xf32>
    %add3A_156 = arith.addf %add3A_154, %slice3A_155 : vector<32x8xf32>
    %slice3A_157 = vector.extract_strided_slice %mul3A_143 {offsets = [0, 56], sizes = [32, 8], strides = [1, 1]} : vector<32x128xf32> to vector<32x8xf32>
    %add3A_158 = arith.addf %add3A_156, %slice3A_157 : vector<32x8xf32>
    %slice3A_159 = vector.extract_strided_slice %mul3A_143 {offsets = [0, 64], sizes = [32, 8], strides = [1, 1]} : vector<32x128xf32> to vector<32x8xf32>
    %add3A_160 = arith.addf %add3A_158, %slice3A_159 : vector<32x8xf32>
    %slice3A_161 = vector.extract_strided_slice %mul3A_143 {offsets = [0, 72], sizes = [32, 8], strides = [1, 1]} : vector<32x128xf32> to vector<32x8xf32>
    %add3A_162 = arith.addf %add3A_160, %slice3A_161 : vector<32x8xf32>
    %slice3A_163 = vector.extract_strided_slice %mul3A_143 {offsets = [0, 80], sizes = [32, 8], strides = [1, 1]} : vector<32x128xf32> to vector<32x8xf32>
    %add3A_164 = arith.addf %add3A_162, %slice3A_163 : vector<32x8xf32>
    %slice3A_165 = vector.extract_strided_slice %mul3A_143 {offsets = [0, 88], sizes = [32, 8], strides = [1, 1]} : vector<32x128xf32> to vector<32x8xf32>
    %add3A_166 = arith.addf %add3A_164, %slice3A_165 : vector<32x8xf32>
    %slice3A_167 = vector.extract_strided_slice %mul3A_143 {offsets = [0, 96], sizes = [32, 8], strides = [1, 1]} : vector<32x128xf32> to vector<32x8xf32>
    %add3A_168 = arith.addf %add3A_166, %slice3A_167 : vector<32x8xf32>
    %slice3A_169 = vector.extract_strided_slice %mul3A_143 {offsets = [0, 104], sizes = [32, 8], strides = [1, 1]} : vector<32x128xf32> to vector<32x8xf32>
    %add3A_170 = arith.addf %add3A_168, %slice3A_169 : vector<32x8xf32>
    %slice3A_171 = vector.extract_strided_slice %mul3A_143 {offsets = [0, 112], sizes = [32, 8], strides = [1, 1]} : vector<32x128xf32> to vector<32x8xf32>
    %add3A_172 = arith.addf %add3A_170, %slice3A_171 : vector<32x8xf32>
    %slice3A_173 = vector.extract_strided_slice %mul3A_143 {offsets = [0, 120], sizes = [32, 8], strides = [1, 1]} : vector<32x128xf32> to vector<32x8xf32>
    %add3A_174 = arith.addf %add3A_172, %slice3A_173 : vector<32x8xf32>
    %slice3A_175 = vector.extract_strided_slice %add3A_174 {offsets = [0, 0], sizes = [32, 4], strides = [1, 1]} : vector<32x8xf32> to vector<32x4xf32>
    %slice3A_176 = vector.extract_strided_slice %add3A_174 {offsets = [0, 4], sizes = [32, 4], strides = [1, 1]} : vector<32x8xf32> to vector<32x4xf32>
    %add3A_177 = arith.addf %slice3A_175, %slice3A_176 : vector<32x4xf32>
    %slice3A_178 = vector.extract_strided_slice %add3A_177 {offsets = [0, 0], sizes = [32, 2], strides = [1, 1]} : vector<32x4xf32> to vector<32x2xf32>
    %slice3A_179 = vector.extract_strided_slice %add3A_177 {offsets = [0, 2], sizes = [32, 2], strides = [1, 1]} : vector<32x4xf32> to vector<32x2xf32>
    %add3A_180 = arith.addf %slice3A_178, %slice3A_179 : vector<32x2xf32>
    %slice3A_181 = vector.extract_strided_slice %add3A_180 {offsets = [0, 0], sizes = [32, 1], strides = [1, 1]} : vector<32x2xf32> to vector<32x1xf32>
    %slice3A_182 = vector.extract_strided_slice %add3A_180 {offsets = [0, 1], sizes = [32, 1], strides = [1, 1]} : vector<32x2xf32> to vector<32x1xf32>
    %add3A_183 = arith.addf %slice3A_181, %slice3A_182 : vector<32x1xf32>
    %mul3A_184 = arith.constant 7.812500e-03 : f32
    %mul3A_185 = vector.broadcast %mul3A_184 : f32 to vector<32x1xf32>
    %mul3A_186 = arith.mulf %add3A_183, %mul3A_185 : vector<32x1xf32>
    %add3A_187 = arith.constant 9.99999974E-6 : f32
    %add3A_188 = vector.broadcast %add3A_187 : f32 to vector<32x1xf32>
    %add3A_189 = arith.addf %mul3A_186, %add3A_188 : vector<32x1xf32>
    %sqrt3A = math.sqrt %add3A_189 : vector<32x1xf32>
    %div3A_190 = vector.broadcast %sqrt3A : vector<32x1xf32> to vector<32x128xf32>
    %div3A_191 = arith.divf %sub3A_142, %div3A_190 : vector<32x128xf32>
    %mul3A_192 = vector.broadcast %get3A_57 : vector<1x128xf32> to vector<32x128xf32>
    %mul3A_193 = arith.mulf %div3A_191, %mul3A_192 : vector<32x128xf32>
    %add3A_194 = vector.broadcast %get3A_60 : vector<1x128xf32> to vector<32x128xf32>
    %add3A_195 = arith.addf %mul3A_193, %add3A_194 : vector<32x128xf32>
    %dot_general3A_196 = arith.constant dense<0.000000e+00> : vector<32x128xf32>
    %dot_general3A_197 = tpu.matmul %convert_element_type3A, %add3A_195, %dot_general3A_196 {dimension_numbers = #tpu.dot_dimension_numbers<[1], [0], [0], [1], [0, 0, 1, 1], [], []>, transpose_lhs_hint = false} : vector<32x32xf32>, vector<32x128xf32>, vector<32x128xf32> -> vector<32x128xf32>
    %add3A_198 = arith.addf %dot_general3A_197, %dot_general3A_14 : vector<32x128xf32>
    %div3A_199 = vector.broadcast %max3A_18 : vector<32x1xf32> to vector<32x128xf32>
    %div3A_200 = arith.divf %add3A_198, %div3A_199 : vector<32x128xf32>
    %dot_general3A_201 = arith.constant dense<0.000000e+00> : vector<32x384xf32>
    %dot_general3A_202 = tpu.matmul %div3A_200, %get3A_45, %dot_general3A_201 {dimension_numbers = #tpu.dot_dimension_numbers<[1], [1], [0], [0], [0, 0, 1, 0], [], []>, transpose_lhs_hint = false} : vector<32x128xf32>, vector<384x128xf32>, vector<32x384xf32> -> vector<32x384xf32>
    %add3A_203 = vector.broadcast %get3A_51 : vector<1x384xf32> to vector<32x384xf32>
    %add3A_204 = arith.addf %dot_general3A_202, %add3A_203 : vector<32x384xf32>
    %dot_general3A_205 = arith.constant dense<0.000000e+00> : vector<32x384xf32>
    %dot_general3A_206 = tpu.matmul %add3A_195, %get3A_48, %dot_general3A_205 {dimension_numbers = #tpu.dot_dimension_numbers<[1], [1], [0], [0], [0, 0, 1, 0], [], []>, transpose_lhs_hint = false} : vector<32x128xf32>, vector<384x128xf32>, vector<32x384xf32> -> vector<32x384xf32>
    %add3A_207 = vector.broadcast %get3A_54 : vector<1x384xf32> to vector<32x384xf32>
    %add3A_208 = arith.addf %dot_general3A_206, %add3A_207 : vector<32x384xf32>
    %slice3A_209 = vector.extract_strided_slice %add3A_204 {offsets = [0, 0], sizes = [32, 128], strides = [1, 1]} : vector<32x384xf32> to vector<32x128xf32>
    %slice3A_210 = vector.extract_strided_slice %add3A_208 {offsets = [0, 0], sizes = [32, 128], strides = [1, 1]} : vector<32x384xf32> to vector<32x128xf32>
    %add3A_211 = arith.addf %slice3A_209, %slice3A_210 : vector<32x128xf32>
    %logistic3A_212 = arith.negf %add3A_211 : vector<32x128xf32>
    %logistic3A_213 = math.exp %logistic3A_212 : vector<32x128xf32>
    %logistic3A_214 = arith.constant 1.000000e+00 : f32
    %logistic3A_215 = vector.broadcast %logistic3A_214 : f32 to vector<32x128xf32>
    %logistic3A_216 = arith.addf %logistic3A_215, %logistic3A_213 : vector<32x128xf32>
    %logistic3A_217 = arith.divf %logistic3A_215, %logistic3A_216 : vector<32x128xf32>
    %slice3A_218 = vector.extract_strided_slice %add3A_204 {offsets = [0, 128], sizes = [32, 128], strides = [1, 1]} : vector<32x384xf32> to vector<32x128xf32>
    %slice3A_219 = vector.extract_strided_slice %add3A_208 {offsets = [0, 128], sizes = [32, 128], strides = [1, 1]} : vector<32x384xf32> to vector<32x128xf32>
    %add3A_220 = arith.addf %slice3A_218, %slice3A_219 : vector<32x128xf32>
    %logistic3A_221 = arith.negf %add3A_220 : vector<32x128xf32>
    %logistic3A_222 = math.exp %logistic3A_221 : vector<32x128xf32>
    %logistic3A_223 = arith.constant 1.000000e+00 : f32
    %logistic3A_224 = vector.broadcast %logistic3A_223 : f32 to vector<32x128xf32>
    %logistic3A_225 = arith.addf %logistic3A_224, %logistic3A_222 : vector<32x128xf32>
    %logistic3A_226 = arith.divf %logistic3A_224, %logistic3A_225 : vector<32x128xf32>
    %slice3A_227 = vector.extract_strided_slice %add3A_204 {offsets = [0, 256], sizes = [32, 128], strides = [1, 1]} : vector<32x384xf32> to vector<32x128xf32>
    %slice3A_228 = vector.extract_strided_slice %add3A_208 {offsets = [0, 256], sizes = [32, 128], strides = [1, 1]} : vector<32x384xf32> to vector<32x128xf32>
    %mul3A_229 = arith.mulf %logistic3A_217, %slice3A_228 : vector<32x128xf32>
    %add3A_230 = arith.addf %slice3A_227, %mul3A_229 : vector<32x128xf32>
    %tanh3A_231 = math.tanh %add3A_230 : vector<32x128xf32>
    %sub3A_232 = arith.constant 1.000000e+00 : f32
    %sub3A_233 = vector.broadcast %sub3A_232 : f32 to vector<32x128xf32>
    %sub3A_234 = arith.subf %sub3A_233, %logistic3A_226 : vector<32x128xf32>
    %mul3A_235 = arith.mulf %sub3A_234, %tanh3A_231 : vector<32x128xf32>
    %mul3A_236 = arith.mulf %logistic3A_226, %add3A_195 : vector<32x128xf32>
    %add3A_237 = arith.addf %mul3A_235, %mul3A_236 : vector<32x128xf32>
    %slice3A_238 = vector.extract_strided_slice %add3A_237 {offsets = [0, 0], sizes = [32, 8], strides = [1, 1]} : vector<32x128xf32> to vector<32x8xf32>
    %slice3A_239 = vector.extract_strided_slice %add3A_237 {offsets = [0, 8], sizes = [32, 8], strides = [1, 1]} : vector<32x128xf32> to vector<32x8xf32>
    %add3A_240 = arith.addf %slice3A_238, %slice3A_239 : vector<32x8xf32>
    %slice3A_241 = vector.extract_strided_slice %add3A_237 {offsets = [0, 16], sizes = [32, 8], strides = [1, 1]} : vector<32x128xf32> to vector<32x8xf32>
    %add3A_242 = arith.addf %add3A_240, %slice3A_241 : vector<32x8xf32>
    %slice3A_243 = vector.extract_strided_slice %add3A_237 {offsets = [0, 24], sizes = [32, 8], strides = [1, 1]} : vector<32x128xf32> to vector<32x8xf32>
    %add3A_244 = arith.addf %add3A_242, %slice3A_243 : vector<32x8xf32>
    %slice3A_245 = vector.extract_strided_slice %add3A_237 {offsets = [0, 32], sizes = [32, 8], strides = [1, 1]} : vector<32x128xf32> to vector<32x8xf32>
    %add3A_246 = arith.addf %add3A_244, %slice3A_245 : vector<32x8xf32>
    %slice3A_247 = vector.extract_strided_slice %add3A_237 {offsets = [0, 40], sizes = [32, 8], strides = [1, 1]} : vector<32x128xf32> to vector<32x8xf32>
    %add3A_248 = arith.addf %add3A_246, %slice3A_247 : vector<32x8xf32>
    %slice3A_249 = vector.extract_strided_slice %add3A_237 {offsets = [0, 48], sizes = [32, 8], strides = [1, 1]} : vector<32x128xf32> to vector<32x8xf32>
    %add3A_250 = arith.addf %add3A_248, %slice3A_249 : vector<32x8xf32>
    %slice3A_251 = vector.extract_strided_slice %add3A_237 {offsets = [0, 56], sizes = [32, 8], strides = [1, 1]} : vector<32x128xf32> to vector<32x8xf32>
    %add3A_252 = arith.addf %add3A_250, %slice3A_251 : vector<32x8xf32>
    %slice3A_253 = vector.extract_strided_slice %add3A_237 {offsets = [0, 64], sizes = [32, 8], strides = [1, 1]} : vector<32x128xf32> to vector<32x8xf32>
    %add3A_254 = arith.addf %add3A_252, %slice3A_253 : vector<32x8xf32>
    %slice3A_255 = vector.extract_strided_slice %add3A_237 {offsets = [0, 72], sizes = [32, 8], strides = [1, 1]} : vector<32x128xf32> to vector<32x8xf32>
    %add3A_256 = arith.addf %add3A_254, %slice3A_255 : vector<32x8xf32>
    %slice3A_257 = vector.extract_strided_slice %add3A_237 {offsets = [0, 80], sizes = [32, 8], strides = [1, 1]} : vector<32x128xf32> to vector<32x8xf32>
    %add3A_258 = arith.addf %add3A_256, %slice3A_257 : vector<32x8xf32>
    %slice3A_259 = vector.extract_strided_slice %add3A_237 {offsets = [0, 88], sizes = [32, 8], strides = [1, 1]} : vector<32x128xf32> to vector<32x8xf32>
    %add3A_260 = arith.addf %add3A_258, %slice3A_259 : vector<32x8xf32>
    %slice3A_261 = vector.extract_strided_slice %add3A_237 {offsets = [0, 96], sizes = [32, 8], strides = [1, 1]} : vector<32x128xf32> to vector<32x8xf32>
    %add3A_262 = arith.addf %add3A_260, %slice3A_261 : vector<32x8xf32>
    %slice3A_263 = vector.extract_strided_slice %add3A_237 {offsets = [0, 104], sizes = [32, 8], strides = [1, 1]} : vector<32x128xf32> to vector<32x8xf32>
    %add3A_264 = arith.addf %add3A_262, %slice3A_263 : vector<32x8xf32>
    %slice3A_265 = vector.extract_strided_slice %add3A_237 {offsets = [0, 112], sizes = [32, 8], strides = [1, 1]} : vector<32x128xf32> to vector<32x8xf32>
    %add3A_266 = arith.addf %add3A_264, %slice3A_265 : vector<32x8xf32>
    %slice3A_267 = vector.extract_strided_slice %add3A_237 {offsets = [0, 120], sizes = [32, 8], strides = [1, 1]} : vector<32x128xf32> to vector<32x8xf32>
    %add3A_268 = arith.addf %add3A_266, %slice3A_267 : vector<32x8xf32>
    %slice3A_269 = vector.extract_strided_slice %add3A_268 {offsets = [0, 0], sizes = [32, 4], strides = [1, 1]} : vector<32x8xf32> to vector<32x4xf32>
    %slice3A_270 = vector.extract_strided_slice %add3A_268 {offsets = [0, 4], sizes = [32, 4], strides = [1, 1]} : vector<32x8xf32> to vector<32x4xf32>
    %add3A_271 = arith.addf %slice3A_269, %slice3A_270 : vector<32x4xf32>
    %slice3A_272 = vector.extract_strided_slice %add3A_271 {offsets = [0, 0], sizes = [32, 2], strides = [1, 1]} : vector<32x4xf32> to vector<32x2xf32>
    %slice3A_273 = vector.extract_strided_slice %add3A_271 {offsets = [0, 2], sizes = [32, 2], strides = [1, 1]} : vector<32x4xf32> to vector<32x2xf32>
    %add3A_274 = arith.addf %slice3A_272, %slice3A_273 : vector<32x2xf32>
    %slice3A_275 = vector.extract_strided_slice %add3A_274 {offsets = [0, 0], sizes = [32, 1], strides = [1, 1]} : vector<32x2xf32> to vector<32x1xf32>
    %slice3A_276 = vector.extract_strided_slice %add3A_274 {offsets = [0, 1], sizes = [32, 1], strides = [1, 1]} : vector<32x2xf32> to vector<32x1xf32>
    %add3A_277 = arith.addf %slice3A_275, %slice3A_276 : vector<32x1xf32>
    %mul3A_278 = arith.constant 7.812500e-03 : f32
    %mul3A_279 = vector.broadcast %mul3A_278 : f32 to vector<32x1xf32>
    %mul3A_280 = arith.mulf %add3A_277, %mul3A_279 : vector<32x1xf32>
    %sub3A_281 = vector.broadcast %mul3A_280 : vector<32x1xf32> to vector<32x128xf32>
    %sub3A_282 = arith.subf %add3A_237, %sub3A_281 : vector<32x128xf32>
    %mul3A_283 = arith.mulf %sub3A_282, %sub3A_282 : vector<32x128xf32>
    %slice3A_284 = vector.extract_strided_slice %mul3A_283 {offsets = [0, 0], sizes = [32, 8], strides = [1, 1]} : vector<32x128xf32> to vector<32x8xf32>
    %slice3A_285 = vector.extract_strided_slice %mul3A_283 {offsets = [0, 8], sizes = [32, 8], strides = [1, 1]} : vector<32x128xf32> to vector<32x8xf32>
    %add3A_286 = arith.addf %slice3A_284, %slice3A_285 : vector<32x8xf32>
    %slice3A_287 = vector.extract_strided_slice %mul3A_283 {offsets = [0, 16], sizes = [32, 8], strides = [1, 1]} : vector<32x128xf32> to vector<32x8xf32>
    %add3A_288 = arith.addf %add3A_286, %slice3A_287 : vector<32x8xf32>
    %slice3A_289 = vector.extract_strided_slice %mul3A_283 {offsets = [0, 24], sizes = [32, 8], strides = [1, 1]} : vector<32x128xf32> to vector<32x8xf32>
    %add3A_290 = arith.addf %add3A_288, %slice3A_289 : vector<32x8xf32>
    %slice3A_291 = vector.extract_strided_slice %mul3A_283 {offsets = [0, 32], sizes = [32, 8], strides = [1, 1]} : vector<32x128xf32> to vector<32x8xf32>
    %add3A_292 = arith.addf %add3A_290, %slice3A_291 : vector<32x8xf32>
    %slice3A_293 = vector.extract_strided_slice %mul3A_283 {offsets = [0, 40], sizes = [32, 8], strides = [1, 1]} : vector<32x128xf32> to vector<32x8xf32>
    %add3A_294 = arith.addf %add3A_292, %slice3A_293 : vector<32x8xf32>
    %slice3A_295 = vector.extract_strided_slice %mul3A_283 {offsets = [0, 48], sizes = [32, 8], strides = [1, 1]} : vector<32x128xf32> to vector<32x8xf32>
    %add3A_296 = arith.addf %add3A_294, %slice3A_295 : vector<32x8xf32>
    %slice3A_297 = vector.extract_strided_slice %mul3A_283 {offsets = [0, 56], sizes = [32, 8], strides = [1, 1]} : vector<32x128xf32> to vector<32x8xf32>
    %add3A_298 = arith.addf %add3A_296, %slice3A_297 : vector<32x8xf32>
    %slice3A_299 = vector.extract_strided_slice %mul3A_283 {offsets = [0, 64], sizes = [32, 8], strides = [1, 1]} : vector<32x128xf32> to vector<32x8xf32>
    %add3A_300 = arith.addf %add3A_298, %slice3A_299 : vector<32x8xf32>
    %slice3A_301 = vector.extract_strided_slice %mul3A_283 {offsets = [0, 72], sizes = [32, 8], strides = [1, 1]} : vector<32x128xf32> to vector<32x8xf32>
    %add3A_302 = arith.addf %add3A_300, %slice3A_301 : vector<32x8xf32>
    %slice3A_303 = vector.extract_strided_slice %mul3A_283 {offsets = [0, 80], sizes = [32, 8], strides = [1, 1]} : vector<32x128xf32> to vector<32x8xf32>
    %add3A_304 = arith.addf %add3A_302, %slice3A_303 : vector<32x8xf32>
    %slice3A_305 = vector.extract_strided_slice %mul3A_283 {offsets = [0, 88], sizes = [32, 8], strides = [1, 1]} : vector<32x128xf32> to vector<32x8xf32>
    %add3A_306 = arith.addf %add3A_304, %slice3A_305 : vector<32x8xf32>
    %slice3A_307 = vector.extract_strided_slice %mul3A_283 {offsets = [0, 96], sizes = [32, 8], strides = [1, 1]} : vector<32x128xf32> to vector<32x8xf32>
    %add3A_308 = arith.addf %add3A_306, %slice3A_307 : vector<32x8xf32>
    %slice3A_309 = vector.extract_strided_slice %mul3A_283 {offsets = [0, 104], sizes = [32, 8], strides = [1, 1]} : vector<32x128xf32> to vector<32x8xf32>
    %add3A_310 = arith.addf %add3A_308, %slice3A_309 : vector<32x8xf32>
    %slice3A_311 = vector.extract_strided_slice %mul3A_283 {offsets = [0, 112], sizes = [32, 8], strides = [1, 1]} : vector<32x128xf32> to vector<32x8xf32>
    %add3A_312 = arith.addf %add3A_310, %slice3A_311 : vector<32x8xf32>
    %slice3A_313 = vector.extract_strided_slice %mul3A_283 {offsets = [0, 120], sizes = [32, 8], strides = [1, 1]} : vector<32x128xf32> to vector<32x8xf32>
    %add3A_314 = arith.addf %add3A_312, %slice3A_313 : vector<32x8xf32>
    %slice3A_315 = vector.extract_strided_slice %add3A_314 {offsets = [0, 0], sizes = [32, 4], strides = [1, 1]} : vector<32x8xf32> to vector<32x4xf32>
    %slice3A_316 = vector.extract_strided_slice %add3A_314 {offsets = [0, 4], sizes = [32, 4], strides = [1, 1]} : vector<32x8xf32> to vector<32x4xf32>
    %add3A_317 = arith.addf %slice3A_315, %slice3A_316 : vector<32x4xf32>
    %slice3A_318 = vector.extract_strided_slice %add3A_317 {offsets = [0, 0], sizes = [32, 2], strides = [1, 1]} : vector<32x4xf32> to vector<32x2xf32>
    %slice3A_319 = vector.extract_strided_slice %add3A_317 {offsets = [0, 2], sizes = [32, 2], strides = [1, 1]} : vector<32x4xf32> to vector<32x2xf32>
    %add3A_320 = arith.addf %slice3A_318, %slice3A_319 : vector<32x2xf32>
    %slice3A_321 = vector.extract_strided_slice %add3A_320 {offsets = [0, 0], sizes = [32, 1], strides = [1, 1]} : vector<32x2xf32> to vector<32x1xf32>
    %slice3A_322 = vector.extract_strided_slice %add3A_320 {offsets = [0, 1], sizes = [32, 1], strides = [1, 1]} : vector<32x2xf32> to vector<32x1xf32>
    %add3A_323 = arith.addf %slice3A_321, %slice3A_322 : vector<32x1xf32>
    %mul3A_324 = arith.constant 7.812500e-03 : f32
    %mul3A_325 = vector.broadcast %mul3A_324 : f32 to vector<32x1xf32>
    %mul3A_326 = arith.mulf %add3A_323, %mul3A_325 : vector<32x1xf32>
    %add3A_327 = arith.constant 9.99999974E-6 : f32
    %add3A_328 = vector.broadcast %add3A_327 : f32 to vector<32x1xf32>
    %add3A_329 = arith.addf %mul3A_326, %add3A_328 : vector<32x1xf32>
    %sqrt3A_330 = math.sqrt %add3A_329 : vector<32x1xf32>
    %div3A_331 = vector.broadcast %sqrt3A_330 : vector<32x1xf32> to vector<32x128xf32>
    %div3A_332 = arith.divf %sub3A_282, %div3A_331 : vector<32x128xf32>
    %mul3A_333 = vector.broadcast %get3A_57 : vector<1x128xf32> to vector<32x128xf32>
    %mul3A_334 = arith.mulf %div3A_332, %mul3A_333 : vector<32x128xf32>
    %add3A_335 = vector.broadcast %get3A_60 : vector<1x128xf32> to vector<32x128xf32>
    %add3A_336 = arith.addf %mul3A_334, %add3A_335 : vector<32x128xf32>
    %dot_general3A_337 = arith.constant dense<0.000000e+00> : vector<32x128xf32>
    %dot_general3A_338 = tpu.matmul %convert_element_type3A, %add3A_336, %dot_general3A_337 {dimension_numbers = #tpu.dot_dimension_numbers<[1], [0], [0], [1], [0, 0, 1, 1], [], []>, transpose_lhs_hint = false} : vector<32x32xf32>, vector<32x128xf32>, vector<32x128xf32> -> vector<32x128xf32>
    %add3A_339 = arith.addf %dot_general3A_338, %dot_general3A_14 : vector<32x128xf32>
    %div3A_340 = vector.broadcast %max3A_18 : vector<32x1xf32> to vector<32x128xf32>
    %div3A_341 = arith.divf %add3A_339, %div3A_340 : vector<32x128xf32>
    %dot_general3A_342 = arith.constant dense<0.000000e+00> : vector<32x384xf32>
    %dot_general3A_343 = tpu.matmul %div3A_341, %get3A_45, %dot_general3A_342 {dimension_numbers = #tpu.dot_dimension_numbers<[1], [1], [0], [0], [0, 0, 1, 0], [], []>, transpose_lhs_hint = false} : vector<32x128xf32>, vector<384x128xf32>, vector<32x384xf32> -> vector<32x384xf32>
    %add3A_344 = vector.broadcast %get3A_51 : vector<1x384xf32> to vector<32x384xf32>
    %add3A_345 = arith.addf %dot_general3A_343, %add3A_344 : vector<32x384xf32>
    %dot_general3A_346 = arith.constant dense<0.000000e+00> : vector<32x384xf32>
    %dot_general3A_347 = tpu.matmul %add3A_336, %get3A_48, %dot_general3A_346 {dimension_numbers = #tpu.dot_dimension_numbers<[1], [1], [0], [0], [0, 0, 1, 0], [], []>, transpose_lhs_hint = false} : vector<32x128xf32>, vector<384x128xf32>, vector<32x384xf32> -> vector<32x384xf32>
    %add3A_348 = vector.broadcast %get3A_54 : vector<1x384xf32> to vector<32x384xf32>
    %add3A_349 = arith.addf %dot_general3A_347, %add3A_348 : vector<32x384xf32>
    %slice3A_350 = vector.extract_strided_slice %add3A_345 {offsets = [0, 0], sizes = [32, 128], strides = [1, 1]} : vector<32x384xf32> to vector<32x128xf32>
    %slice3A_351 = vector.extract_strided_slice %add3A_349 {offsets = [0, 0], sizes = [32, 128], strides = [1, 1]} : vector<32x384xf32> to vector<32x128xf32>
    %add3A_352 = arith.addf %slice3A_350, %slice3A_351 : vector<32x128xf32>
    %logistic3A_353 = arith.negf %add3A_352 : vector<32x128xf32>
    %logistic3A_354 = math.exp %logistic3A_353 : vector<32x128xf32>
    %logistic3A_355 = arith.constant 1.000000e+00 : f32
    %logistic3A_356 = vector.broadcast %logistic3A_355 : f32 to vector<32x128xf32>
    %logistic3A_357 = arith.addf %logistic3A_356, %logistic3A_354 : vector<32x128xf32>
    %logistic3A_358 = arith.divf %logistic3A_356, %logistic3A_357 : vector<32x128xf32>
    %slice3A_359 = vector.extract_strided_slice %add3A_345 {offsets = [0, 128], sizes = [32, 128], strides = [1, 1]} : vector<32x384xf32> to vector<32x128xf32>
    %slice3A_360 = vector.extract_strided_slice %add3A_349 {offsets = [0, 128], sizes = [32, 128], strides = [1, 1]} : vector<32x384xf32> to vector<32x128xf32>
    %add3A_361 = arith.addf %slice3A_359, %slice3A_360 : vector<32x128xf32>
    %logistic3A_362 = arith.negf %add3A_361 : vector<32x128xf32>
    %logistic3A_363 = math.exp %logistic3A_362 : vector<32x128xf32>
    %logistic3A_364 = arith.constant 1.000000e+00 : f32
    %logistic3A_365 = vector.broadcast %logistic3A_364 : f32 to vector<32x128xf32>
    %logistic3A_366 = arith.addf %logistic3A_365, %logistic3A_363 : vector<32x128xf32>
    %logistic3A_367 = arith.divf %logistic3A_365, %logistic3A_366 : vector<32x128xf32>
    %slice3A_368 = vector.extract_strided_slice %add3A_345 {offsets = [0, 256], sizes = [32, 128], strides = [1, 1]} : vector<32x384xf32> to vector<32x128xf32>
    %slice3A_369 = vector.extract_strided_slice %add3A_349 {offsets = [0, 256], sizes = [32, 128], strides = [1, 1]} : vector<32x384xf32> to vector<32x128xf32>
    %mul3A_370 = arith.mulf %logistic3A_358, %slice3A_369 : vector<32x128xf32>
    %add3A_371 = arith.addf %slice3A_368, %mul3A_370 : vector<32x128xf32>
    %tanh3A_372 = math.tanh %add3A_371 : vector<32x128xf32>
    %sub3A_373 = arith.constant 1.000000e+00 : f32
    %sub3A_374 = vector.broadcast %sub3A_373 : f32 to vector<32x128xf32>
    %sub3A_375 = arith.subf %sub3A_374, %logistic3A_367 : vector<32x128xf32>
    %mul3A_376 = arith.mulf %sub3A_375, %tanh3A_372 : vector<32x128xf32>
    %mul3A_377 = arith.mulf %logistic3A_367, %add3A_336 : vector<32x128xf32>
    %add3A_378 = arith.addf %mul3A_376, %mul3A_377 : vector<32x128xf32>
    %slice3A_379 = vector.extract_strided_slice %add3A_378 {offsets = [0, 0], sizes = [32, 8], strides = [1, 1]} : vector<32x128xf32> to vector<32x8xf32>
    %slice3A_380 = vector.extract_strided_slice %add3A_378 {offsets = [0, 8], sizes = [32, 8], strides = [1, 1]} : vector<32x128xf32> to vector<32x8xf32>
    %add3A_381 = arith.addf %slice3A_379, %slice3A_380 : vector<32x8xf32>
    %slice3A_382 = vector.extract_strided_slice %add3A_378 {offsets = [0, 16], sizes = [32, 8], strides = [1, 1]} : vector<32x128xf32> to vector<32x8xf32>
    %add3A_383 = arith.addf %add3A_381, %slice3A_382 : vector<32x8xf32>
    %slice3A_384 = vector.extract_strided_slice %add3A_378 {offsets = [0, 24], sizes = [32, 8], strides = [1, 1]} : vector<32x128xf32> to vector<32x8xf32>
    %add3A_385 = arith.addf %add3A_383, %slice3A_384 : vector<32x8xf32>
    %slice3A_386 = vector.extract_strided_slice %add3A_378 {offsets = [0, 32], sizes = [32, 8], strides = [1, 1]} : vector<32x128xf32> to vector<32x8xf32>
    %add3A_387 = arith.addf %add3A_385, %slice3A_386 : vector<32x8xf32>
    %slice3A_388 = vector.extract_strided_slice %add3A_378 {offsets = [0, 40], sizes = [32, 8], strides = [1, 1]} : vector<32x128xf32> to vector<32x8xf32>
    %add3A_389 = arith.addf %add3A_387, %slice3A_388 : vector<32x8xf32>
    %slice3A_390 = vector.extract_strided_slice %add3A_378 {offsets = [0, 48], sizes = [32, 8], strides = [1, 1]} : vector<32x128xf32> to vector<32x8xf32>
    %add3A_391 = arith.addf %add3A_389, %slice3A_390 : vector<32x8xf32>
    %slice3A_392 = vector.extract_strided_slice %add3A_378 {offsets = [0, 56], sizes = [32, 8], strides = [1, 1]} : vector<32x128xf32> to vector<32x8xf32>
    %add3A_393 = arith.addf %add3A_391, %slice3A_392 : vector<32x8xf32>
    %slice3A_394 = vector.extract_strided_slice %add3A_378 {offsets = [0, 64], sizes = [32, 8], strides = [1, 1]} : vector<32x128xf32> to vector<32x8xf32>
    %add3A_395 = arith.addf %add3A_393, %slice3A_394 : vector<32x8xf32>
    %slice3A_396 = vector.extract_strided_slice %add3A_378 {offsets = [0, 72], sizes = [32, 8], strides = [1, 1]} : vector<32x128xf32> to vector<32x8xf32>
    %add3A_397 = arith.addf %add3A_395, %slice3A_396 : vector<32x8xf32>
    %slice3A_398 = vector.extract_strided_slice %add3A_378 {offsets = [0, 80], sizes = [32, 8], strides = [1, 1]} : vector<32x128xf32> to vector<32x8xf32>
    %add3A_399 = arith.addf %add3A_397, %slice3A_398 : vector<32x8xf32>
    %slice3A_400 = vector.extract_strided_slice %add3A_378 {offsets = [0, 88], sizes = [32, 8], strides = [1, 1]} : vector<32x128xf32> to vector<32x8xf32>
    %add3A_401 = arith.addf %add3A_399, %slice3A_400 : vector<32x8xf32>
    %slice3A_402 = vector.extract_strided_slice %add3A_378 {offsets = [0, 96], sizes = [32, 8], strides = [1, 1]} : vector<32x128xf32> to vector<32x8xf32>
    %add3A_403 = arith.addf %add3A_401, %slice3A_402 : vector<32x8xf32>
    %slice3A_404 = vector.extract_strided_slice %add3A_378 {offsets = [0, 104], sizes = [32, 8], strides = [1, 1]} : vector<32x128xf32> to vector<32x8xf32>
    %add3A_405 = arith.addf %add3A_403, %slice3A_404 : vector<32x8xf32>
    %slice3A_406 = vector.extract_strided_slice %add3A_378 {offsets = [0, 112], sizes = [32, 8], strides = [1, 1]} : vector<32x128xf32> to vector<32x8xf32>
    %add3A_407 = arith.addf %add3A_405, %slice3A_406 : vector<32x8xf32>
    %slice3A_408 = vector.extract_strided_slice %add3A_378 {offsets = [0, 120], sizes = [32, 8], strides = [1, 1]} : vector<32x128xf32> to vector<32x8xf32>
    %add3A_409 = arith.addf %add3A_407, %slice3A_408 : vector<32x8xf32>
    %slice3A_410 = vector.extract_strided_slice %add3A_409 {offsets = [0, 0], sizes = [32, 4], strides = [1, 1]} : vector<32x8xf32> to vector<32x4xf32>
    %slice3A_411 = vector.extract_strided_slice %add3A_409 {offsets = [0, 4], sizes = [32, 4], strides = [1, 1]} : vector<32x8xf32> to vector<32x4xf32>
    %add3A_412 = arith.addf %slice3A_410, %slice3A_411 : vector<32x4xf32>
    %slice3A_413 = vector.extract_strided_slice %add3A_412 {offsets = [0, 0], sizes = [32, 2], strides = [1, 1]} : vector<32x4xf32> to vector<32x2xf32>
    %slice3A_414 = vector.extract_strided_slice %add3A_412 {offsets = [0, 2], sizes = [32, 2], strides = [1, 1]} : vector<32x4xf32> to vector<32x2xf32>
    %add3A_415 = arith.addf %slice3A_413, %slice3A_414 : vector<32x2xf32>
    %slice3A_416 = vector.extract_strided_slice %add3A_415 {offsets = [0, 0], sizes = [32, 1], strides = [1, 1]} : vector<32x2xf32> to vector<32x1xf32>
    %slice3A_417 = vector.extract_strided_slice %add3A_415 {offsets = [0, 1], sizes = [32, 1], strides = [1, 1]} : vector<32x2xf32> to vector<32x1xf32>
    %add3A_418 = arith.addf %slice3A_416, %slice3A_417 : vector<32x1xf32>
    %mul3A_419 = arith.constant 7.812500e-03 : f32
    %mul3A_420 = vector.broadcast %mul3A_419 : f32 to vector<32x1xf32>
    %mul3A_421 = arith.mulf %add3A_418, %mul3A_420 : vector<32x1xf32>
    %sub3A_422 = vector.broadcast %mul3A_421 : vector<32x1xf32> to vector<32x128xf32>
    %sub3A_423 = arith.subf %add3A_378, %sub3A_422 : vector<32x128xf32>
    %mul3A_424 = arith.mulf %sub3A_423, %sub3A_423 : vector<32x128xf32>
    %slice3A_425 = vector.extract_strided_slice %mul3A_424 {offsets = [0, 0], sizes = [32, 8], strides = [1, 1]} : vector<32x128xf32> to vector<32x8xf32>
    %slice3A_426 = vector.extract_strided_slice %mul3A_424 {offsets = [0, 8], sizes = [32, 8], strides = [1, 1]} : vector<32x128xf32> to vector<32x8xf32>
    %add3A_427 = arith.addf %slice3A_425, %slice3A_426 : vector<32x8xf32>
    %slice3A_428 = vector.extract_strided_slice %mul3A_424 {offsets = [0, 16], sizes = [32, 8], strides = [1, 1]} : vector<32x128xf32> to vector<32x8xf32>
    %add3A_429 = arith.addf %add3A_427, %slice3A_428 : vector<32x8xf32>
    %slice3A_430 = vector.extract_strided_slice %mul3A_424 {offsets = [0, 24], sizes = [32, 8], strides = [1, 1]} : vector<32x128xf32> to vector<32x8xf32>
    %add3A_431 = arith.addf %add3A_429, %slice3A_430 : vector<32x8xf32>
    %slice3A_432 = vector.extract_strided_slice %mul3A_424 {offsets = [0, 32], sizes = [32, 8], strides = [1, 1]} : vector<32x128xf32> to vector<32x8xf32>
    %add3A_433 = arith.addf %add3A_431, %slice3A_432 : vector<32x8xf32>
    %slice3A_434 = vector.extract_strided_slice %mul3A_424 {offsets = [0, 40], sizes = [32, 8], strides = [1, 1]} : vector<32x128xf32> to vector<32x8xf32>
    %add3A_435 = arith.addf %add3A_433, %slice3A_434 : vector<32x8xf32>
    %slice3A_436 = vector.extract_strided_slice %mul3A_424 {offsets = [0, 48], sizes = [32, 8], strides = [1, 1]} : vector<32x128xf32> to vector<32x8xf32>
    %add3A_437 = arith.addf %add3A_435, %slice3A_436 : vector<32x8xf32>
    %slice3A_438 = vector.extract_strided_slice %mul3A_424 {offsets = [0, 56], sizes = [32, 8], strides = [1, 1]} : vector<32x128xf32> to vector<32x8xf32>
    %add3A_439 = arith.addf %add3A_437, %slice3A_438 : vector<32x8xf32>
    %slice3A_440 = vector.extract_strided_slice %mul3A_424 {offsets = [0, 64], sizes = [32, 8], strides = [1, 1]} : vector<32x128xf32> to vector<32x8xf32>
    %add3A_441 = arith.addf %add3A_439, %slice3A_440 : vector<32x8xf32>
    %slice3A_442 = vector.extract_strided_slice %mul3A_424 {offsets = [0, 72], sizes = [32, 8], strides = [1, 1]} : vector<32x128xf32> to vector<32x8xf32>
    %add3A_443 = arith.addf %add3A_441, %slice3A_442 : vector<32x8xf32>
    %slice3A_444 = vector.extract_strided_slice %mul3A_424 {offsets = [0, 80], sizes = [32, 8], strides = [1, 1]} : vector<32x128xf32> to vector<32x8xf32>
    %add3A_445 = arith.addf %add3A_443, %slice3A_444 : vector<32x8xf32>
    %slice3A_446 = vector.extract_strided_slice %mul3A_424 {offsets = [0, 88], sizes = [32, 8], strides = [1, 1]} : vector<32x128xf32> to vector<32x8xf32>
    %add3A_447 = arith.addf %add3A_445, %slice3A_446 : vector<32x8xf32>
    %slice3A_448 = vector.extract_strided_slice %mul3A_424 {offsets = [0, 96], sizes = [32, 8], strides = [1, 1]} : vector<32x128xf32> to vector<32x8xf32>
    %add3A_449 = arith.addf %add3A_447, %slice3A_448 : vector<32x8xf32>
    %slice3A_450 = vector.extract_strided_slice %mul3A_424 {offsets = [0, 104], sizes = [32, 8], strides = [1, 1]} : vector<32x128xf32> to vector<32x8xf32>
    %add3A_451 = arith.addf %add3A_449, %slice3A_450 : vector<32x8xf32>
    %slice3A_452 = vector.extract_strided_slice %mul3A_424 {offsets = [0, 112], sizes = [32, 8], strides = [1, 1]} : vector<32x128xf32> to vector<32x8xf32>
    %add3A_453 = arith.addf %add3A_451, %slice3A_452 : vector<32x8xf32>
    %slice3A_454 = vector.extract_strided_slice %mul3A_424 {offsets = [0, 120], sizes = [32, 8], strides = [1, 1]} : vector<32x128xf32> to vector<32x8xf32>
    %add3A_455 = arith.addf %add3A_453, %slice3A_454 : vector<32x8xf32>
    %slice3A_456 = vector.extract_strided_slice %add3A_455 {offsets = [0, 0], sizes = [32, 4], strides = [1, 1]} : vector<32x8xf32> to vector<32x4xf32>
    %slice3A_457 = vector.extract_strided_slice %add3A_455 {offsets = [0, 4], sizes = [32, 4], strides = [1, 1]} : vector<32x8xf32> to vector<32x4xf32>
    %add3A_458 = arith.addf %slice3A_456, %slice3A_457 : vector<32x4xf32>
    %slice3A_459 = vector.extract_strided_slice %add3A_458 {offsets = [0, 0], sizes = [32, 2], strides = [1, 1]} : vector<32x4xf32> to vector<32x2xf32>
    %slice3A_460 = vector.extract_strided_slice %add3A_458 {offsets = [0, 2], sizes = [32, 2], strides = [1, 1]} : vector<32x4xf32> to vector<32x2xf32>
    %add3A_461 = arith.addf %slice3A_459, %slice3A_460 : vector<32x2xf32>
    %slice3A_462 = vector.extract_strided_slice %add3A_461 {offsets = [0, 0], sizes = [32, 1], strides = [1, 1]} : vector<32x2xf32> to vector<32x1xf32>
    %slice3A_463 = vector.extract_strided_slice %add3A_461 {offsets = [0, 1], sizes = [32, 1], strides = [1, 1]} : vector<32x2xf32> to vector<32x1xf32>
    %add3A_464 = arith.addf %slice3A_462, %slice3A_463 : vector<32x1xf32>
    %mul3A_465 = arith.constant 7.812500e-03 : f32
    %mul3A_466 = vector.broadcast %mul3A_465 : f32 to vector<32x1xf32>
    %mul3A_467 = arith.mulf %add3A_464, %mul3A_466 : vector<32x1xf32>
    %add3A_468 = arith.constant 9.99999974E-6 : f32
    %add3A_469 = vector.broadcast %add3A_468 : f32 to vector<32x1xf32>
    %add3A_470 = arith.addf %mul3A_467, %add3A_469 : vector<32x1xf32>
    %sqrt3A_471 = math.sqrt %add3A_470 : vector<32x1xf32>
    %div3A_472 = vector.broadcast %sqrt3A_471 : vector<32x1xf32> to vector<32x128xf32>
    %div3A_473 = arith.divf %sub3A_423, %div3A_472 : vector<32x128xf32>
    %mul3A_474 = vector.broadcast %get3A_57 : vector<1x128xf32> to vector<32x128xf32>
    %mul3A_475 = arith.mulf %div3A_473, %mul3A_474 : vector<32x128xf32>
    %add3A_476 = vector.broadcast %get3A_60 : vector<1x128xf32> to vector<32x128xf32>
    %add3A_477 = arith.addf %mul3A_475, %add3A_476 : vector<32x128xf32>
    %dot_general3A_478 = arith.constant dense<0.000000e+00> : vector<32x128xf32>
    %dot_general3A_479 = tpu.matmul %convert_element_type3A, %add3A_477, %dot_general3A_478 {dimension_numbers = #tpu.dot_dimension_numbers<[1], [0], [0], [1], [0, 0, 1, 1], [], []>, transpose_lhs_hint = false} : vector<32x32xf32>, vector<32x128xf32>, vector<32x128xf32> -> vector<32x128xf32>
    %add3A_480 = arith.addf %dot_general3A_479, %dot_general3A_14 : vector<32x128xf32>
    %div3A_481 = vector.broadcast %max3A_18 : vector<32x1xf32> to vector<32x128xf32>
    %div3A_482 = arith.divf %add3A_480, %div3A_481 : vector<32x128xf32>
    %dot_general3A_483 = arith.constant dense<0.000000e+00> : vector<32x384xf32>
    %dot_general3A_484 = tpu.matmul %div3A_482, %get3A_45, %dot_general3A_483 {dimension_numbers = #tpu.dot_dimension_numbers<[1], [1], [0], [0], [0, 0, 1, 0], [], []>, transpose_lhs_hint = false} : vector<32x128xf32>, vector<384x128xf32>, vector<32x384xf32> -> vector<32x384xf32>
    %add3A_485 = vector.broadcast %get3A_51 : vector<1x384xf32> to vector<32x384xf32>
    %add3A_486 = arith.addf %dot_general3A_484, %add3A_485 : vector<32x384xf32>
    %dot_general3A_487 = arith.constant dense<0.000000e+00> : vector<32x384xf32>
    %dot_general3A_488 = tpu.matmul %add3A_477, %get3A_48, %dot_general3A_487 {dimension_numbers = #tpu.dot_dimension_numbers<[1], [1], [0], [0], [0, 0, 1, 0], [], []>, transpose_lhs_hint = false} : vector<32x128xf32>, vector<384x128xf32>, vector<32x384xf32> -> vector<32x384xf32>
    %add3A_489 = vector.broadcast %get3A_54 : vector<1x384xf32> to vector<32x384xf32>
    %add3A_490 = arith.addf %dot_general3A_488, %add3A_489 : vector<32x384xf32>
    %slice3A_491 = vector.extract_strided_slice %add3A_486 {offsets = [0, 0], sizes = [32, 128], strides = [1, 1]} : vector<32x384xf32> to vector<32x128xf32>
    %slice3A_492 = vector.extract_strided_slice %add3A_490 {offsets = [0, 0], sizes = [32, 128], strides = [1, 1]} : vector<32x384xf32> to vector<32x128xf32>
    %add3A_493 = arith.addf %slice3A_491, %slice3A_492 : vector<32x128xf32>
    %logistic3A_494 = arith.negf %add3A_493 : vector<32x128xf32>
    %logistic3A_495 = math.exp %logistic3A_494 : vector<32x128xf32>
    %logistic3A_496 = arith.constant 1.000000e+00 : f32
    %logistic3A_497 = vector.broadcast %logistic3A_496 : f32 to vector<32x128xf32>
    %logistic3A_498 = arith.addf %logistic3A_497, %logistic3A_495 : vector<32x128xf32>
    %logistic3A_499 = arith.divf %logistic3A_497, %logistic3A_498 : vector<32x128xf32>
    %slice3A_500 = vector.extract_strided_slice %add3A_486 {offsets = [0, 128], sizes = [32, 128], strides = [1, 1]} : vector<32x384xf32> to vector<32x128xf32>
    %slice3A_501 = vector.extract_strided_slice %add3A_490 {offsets = [0, 128], sizes = [32, 128], strides = [1, 1]} : vector<32x384xf32> to vector<32x128xf32>
    %add3A_502 = arith.addf %slice3A_500, %slice3A_501 : vector<32x128xf32>
    %logistic3A_503 = arith.negf %add3A_502 : vector<32x128xf32>
    %logistic3A_504 = math.exp %logistic3A_503 : vector<32x128xf32>
    %logistic3A_505 = arith.constant 1.000000e+00 : f32
    %logistic3A_506 = vector.broadcast %logistic3A_505 : f32 to vector<32x128xf32>
    %logistic3A_507 = arith.addf %logistic3A_506, %logistic3A_504 : vector<32x128xf32>
    %logistic3A_508 = arith.divf %logistic3A_506, %logistic3A_507 : vector<32x128xf32>
    %slice3A_509 = vector.extract_strided_slice %add3A_486 {offsets = [0, 256], sizes = [32, 128], strides = [1, 1]} : vector<32x384xf32> to vector<32x128xf32>
    %slice3A_510 = vector.extract_strided_slice %add3A_490 {offsets = [0, 256], sizes = [32, 128], strides = [1, 1]} : vector<32x384xf32> to vector<32x128xf32>
    %mul3A_511 = arith.mulf %logistic3A_499, %slice3A_510 : vector<32x128xf32>
    %add3A_512 = arith.addf %slice3A_509, %mul3A_511 : vector<32x128xf32>
    %tanh3A_513 = math.tanh %add3A_512 : vector<32x128xf32>
    %sub3A_514 = arith.constant 1.000000e+00 : f32
    %sub3A_515 = vector.broadcast %sub3A_514 : f32 to vector<32x128xf32>
    %sub3A_516 = arith.subf %sub3A_515, %logistic3A_508 : vector<32x128xf32>
    %mul3A_517 = arith.mulf %sub3A_516, %tanh3A_513 : vector<32x128xf32>
    %mul3A_518 = arith.mulf %logistic3A_508, %add3A_477 : vector<32x128xf32>
    %add3A_519 = arith.addf %mul3A_517, %mul3A_518 : vector<32x128xf32>
    %slice3A_520 = vector.extract_strided_slice %add3A_519 {offsets = [0, 0], sizes = [32, 8], strides = [1, 1]} : vector<32x128xf32> to vector<32x8xf32>
    %slice3A_521 = vector.extract_strided_slice %add3A_519 {offsets = [0, 8], sizes = [32, 8], strides = [1, 1]} : vector<32x128xf32> to vector<32x8xf32>
    %add3A_522 = arith.addf %slice3A_520, %slice3A_521 : vector<32x8xf32>
    %slice3A_523 = vector.extract_strided_slice %add3A_519 {offsets = [0, 16], sizes = [32, 8], strides = [1, 1]} : vector<32x128xf32> to vector<32x8xf32>
    %add3A_524 = arith.addf %add3A_522, %slice3A_523 : vector<32x8xf32>
    %slice3A_525 = vector.extract_strided_slice %add3A_519 {offsets = [0, 24], sizes = [32, 8], strides = [1, 1]} : vector<32x128xf32> to vector<32x8xf32>
    %add3A_526 = arith.addf %add3A_524, %slice3A_525 : vector<32x8xf32>
    %slice3A_527 = vector.extract_strided_slice %add3A_519 {offsets = [0, 32], sizes = [32, 8], strides = [1, 1]} : vector<32x128xf32> to vector<32x8xf32>
    %add3A_528 = arith.addf %add3A_526, %slice3A_527 : vector<32x8xf32>
    %slice3A_529 = vector.extract_strided_slice %add3A_519 {offsets = [0, 40], sizes = [32, 8], strides = [1, 1]} : vector<32x128xf32> to vector<32x8xf32>
    %add3A_530 = arith.addf %add3A_528, %slice3A_529 : vector<32x8xf32>
    %slice3A_531 = vector.extract_strided_slice %add3A_519 {offsets = [0, 48], sizes = [32, 8], strides = [1, 1]} : vector<32x128xf32> to vector<32x8xf32>
    %add3A_532 = arith.addf %add3A_530, %slice3A_531 : vector<32x8xf32>
    %slice3A_533 = vector.extract_strided_slice %add3A_519 {offsets = [0, 56], sizes = [32, 8], strides = [1, 1]} : vector<32x128xf32> to vector<32x8xf32>
    %add3A_534 = arith.addf %add3A_532, %slice3A_533 : vector<32x8xf32>
    %slice3A_535 = vector.extract_strided_slice %add3A_519 {offsets = [0, 64], sizes = [32, 8], strides = [1, 1]} : vector<32x128xf32> to vector<32x8xf32>
    %add3A_536 = arith.addf %add3A_534, %slice3A_535 : vector<32x8xf32>
    %slice3A_537 = vector.extract_strided_slice %add3A_519 {offsets = [0, 72], sizes = [32, 8], strides = [1, 1]} : vector<32x128xf32> to vector<32x8xf32>
    %add3A_538 = arith.addf %add3A_536, %slice3A_537 : vector<32x8xf32>
    %slice3A_539 = vector.extract_strided_slice %add3A_519 {offsets = [0, 80], sizes = [32, 8], strides = [1, 1]} : vector<32x128xf32> to vector<32x8xf32>
    %add3A_540 = arith.addf %add3A_538, %slice3A_539 : vector<32x8xf32>
    %slice3A_541 = vector.extract_strided_slice %add3A_519 {offsets = [0, 88], sizes = [32, 8], strides = [1, 1]} : vector<32x128xf32> to vector<32x8xf32>
    %add3A_542 = arith.addf %add3A_540, %slice3A_541 : vector<32x8xf32>
    %slice3A_543 = vector.extract_strided_slice %add3A_519 {offsets = [0, 96], sizes = [32, 8], strides = [1, 1]} : vector<32x128xf32> to vector<32x8xf32>
    %add3A_544 = arith.addf %add3A_542, %slice3A_543 : vector<32x8xf32>
    %slice3A_545 = vector.extract_strided_slice %add3A_519 {offsets = [0, 104], sizes = [32, 8], strides = [1, 1]} : vector<32x128xf32> to vector<32x8xf32>
    %add3A_546 = arith.addf %add3A_544, %slice3A_545 : vector<32x8xf32>
    %slice3A_547 = vector.extract_strided_slice %add3A_519 {offsets = [0, 112], sizes = [32, 8], strides = [1, 1]} : vector<32x128xf32> to vector<32x8xf32>
    %add3A_548 = arith.addf %add3A_546, %slice3A_547 : vector<32x8xf32>
    %slice3A_549 = vector.extract_strided_slice %add3A_519 {offsets = [0, 120], sizes = [32, 8], strides = [1, 1]} : vector<32x128xf32> to vector<32x8xf32>
    %add3A_550 = arith.addf %add3A_548, %slice3A_549 : vector<32x8xf32>
    %slice3A_551 = vector.extract_strided_slice %add3A_550 {offsets = [0, 0], sizes = [32, 4], strides = [1, 1]} : vector<32x8xf32> to vector<32x4xf32>
    %slice3A_552 = vector.extract_strided_slice %add3A_550 {offsets = [0, 4], sizes = [32, 4], strides = [1, 1]} : vector<32x8xf32> to vector<32x4xf32>
    %add3A_553 = arith.addf %slice3A_551, %slice3A_552 : vector<32x4xf32>
    %slice3A_554 = vector.extract_strided_slice %add3A_553 {offsets = [0, 0], sizes = [32, 2], strides = [1, 1]} : vector<32x4xf32> to vector<32x2xf32>
    %slice3A_555 = vector.extract_strided_slice %add3A_553 {offsets = [0, 2], sizes = [32, 2], strides = [1, 1]} : vector<32x4xf32> to vector<32x2xf32>
    %add3A_556 = arith.addf %slice3A_554, %slice3A_555 : vector<32x2xf32>
    %slice3A_557 = vector.extract_strided_slice %add3A_556 {offsets = [0, 0], sizes = [32, 1], strides = [1, 1]} : vector<32x2xf32> to vector<32x1xf32>
    %slice3A_558 = vector.extract_strided_slice %add3A_556 {offsets = [0, 1], sizes = [32, 1], strides = [1, 1]} : vector<32x2xf32> to vector<32x1xf32>
    %add3A_559 = arith.addf %slice3A_557, %slice3A_558 : vector<32x1xf32>
    %mul3A_560 = arith.constant 7.812500e-03 : f32
    %mul3A_561 = vector.broadcast %mul3A_560 : f32 to vector<32x1xf32>
    %mul3A_562 = arith.mulf %add3A_559, %mul3A_561 : vector<32x1xf32>
    %sub3A_563 = vector.broadcast %mul3A_562 : vector<32x1xf32> to vector<32x128xf32>
    %sub3A_564 = arith.subf %add3A_519, %sub3A_563 : vector<32x128xf32>
    %mul3A_565 = arith.mulf %sub3A_564, %sub3A_564 : vector<32x128xf32>
    %slice3A_566 = vector.extract_strided_slice %mul3A_565 {offsets = [0, 0], sizes = [32, 8], strides = [1, 1]} : vector<32x128xf32> to vector<32x8xf32>
    %slice3A_567 = vector.extract_strided_slice %mul3A_565 {offsets = [0, 8], sizes = [32, 8], strides = [1, 1]} : vector<32x128xf32> to vector<32x8xf32>
    %add3A_568 = arith.addf %slice3A_566, %slice3A_567 : vector<32x8xf32>
    %slice3A_569 = vector.extract_strided_slice %mul3A_565 {offsets = [0, 16], sizes = [32, 8], strides = [1, 1]} : vector<32x128xf32> to vector<32x8xf32>
    %add3A_570 = arith.addf %add3A_568, %slice3A_569 : vector<32x8xf32>
    %slice3A_571 = vector.extract_strided_slice %mul3A_565 {offsets = [0, 24], sizes = [32, 8], strides = [1, 1]} : vector<32x128xf32> to vector<32x8xf32>
    %add3A_572 = arith.addf %add3A_570, %slice3A_571 : vector<32x8xf32>
    %slice3A_573 = vector.extract_strided_slice %mul3A_565 {offsets = [0, 32], sizes = [32, 8], strides = [1, 1]} : vector<32x128xf32> to vector<32x8xf32>
    %add3A_574 = arith.addf %add3A_572, %slice3A_573 : vector<32x8xf32>
    %slice3A_575 = vector.extract_strided_slice %mul3A_565 {offsets = [0, 40], sizes = [32, 8], strides = [1, 1]} : vector<32x128xf32> to vector<32x8xf32>
    %add3A_576 = arith.addf %add3A_574, %slice3A_575 : vector<32x8xf32>
    %slice3A_577 = vector.extract_strided_slice %mul3A_565 {offsets = [0, 48], sizes = [32, 8], strides = [1, 1]} : vector<32x128xf32> to vector<32x8xf32>
    %add3A_578 = arith.addf %add3A_576, %slice3A_577 : vector<32x8xf32>
    %slice3A_579 = vector.extract_strided_slice %mul3A_565 {offsets = [0, 56], sizes = [32, 8], strides = [1, 1]} : vector<32x128xf32> to vector<32x8xf32>
    %add3A_580 = arith.addf %add3A_578, %slice3A_579 : vector<32x8xf32>
    %slice3A_581 = vector.extract_strided_slice %mul3A_565 {offsets = [0, 64], sizes = [32, 8], strides = [1, 1]} : vector<32x128xf32> to vector<32x8xf32>
    %add3A_582 = arith.addf %add3A_580, %slice3A_581 : vector<32x8xf32>
    %slice3A_583 = vector.extract_strided_slice %mul3A_565 {offsets = [0, 72], sizes = [32, 8], strides = [1, 1]} : vector<32x128xf32> to vector<32x8xf32>
    %add3A_584 = arith.addf %add3A_582, %slice3A_583 : vector<32x8xf32>
    %slice3A_585 = vector.extract_strided_slice %mul3A_565 {offsets = [0, 80], sizes = [32, 8], strides = [1, 1]} : vector<32x128xf32> to vector<32x8xf32>
    %add3A_586 = arith.addf %add3A_584, %slice3A_585 : vector<32x8xf32>
    %slice3A_587 = vector.extract_strided_slice %mul3A_565 {offsets = [0, 88], sizes = [32, 8], strides = [1, 1]} : vector<32x128xf32> to vector<32x8xf32>
    %add3A_588 = arith.addf %add3A_586, %slice3A_587 : vector<32x8xf32>
    %slice3A_589 = vector.extract_strided_slice %mul3A_565 {offsets = [0, 96], sizes = [32, 8], strides = [1, 1]} : vector<32x128xf32> to vector<32x8xf32>
    %add3A_590 = arith.addf %add3A_588, %slice3A_589 : vector<32x8xf32>
    %slice3A_591 = vector.extract_strided_slice %mul3A_565 {offsets = [0, 104], sizes = [32, 8], strides = [1, 1]} : vector<32x128xf32> to vector<32x8xf32>
    %add3A_592 = arith.addf %add3A_590, %slice3A_591 : vector<32x8xf32>
    %slice3A_593 = vector.extract_strided_slice %mul3A_565 {offsets = [0, 112], sizes = [32, 8], strides = [1, 1]} : vector<32x128xf32> to vector<32x8xf32>
    %add3A_594 = arith.addf %add3A_592, %slice3A_593 : vector<32x8xf32>
    %slice3A_595 = vector.extract_strided_slice %mul3A_565 {offsets = [0, 120], sizes = [32, 8], strides = [1, 1]} : vector<32x128xf32> to vector<32x8xf32>
    %add3A_596 = arith.addf %add3A_594, %slice3A_595 : vector<32x8xf32>
    %slice3A_597 = vector.extract_strided_slice %add3A_596 {offsets = [0, 0], sizes = [32, 4], strides = [1, 1]} : vector<32x8xf32> to vector<32x4xf32>
    %slice3A_598 = vector.extract_strided_slice %add3A_596 {offsets = [0, 4], sizes = [32, 4], strides = [1, 1]} : vector<32x8xf32> to vector<32x4xf32>
    %add3A_599 = arith.addf %slice3A_597, %slice3A_598 : vector<32x4xf32>
    %slice3A_600 = vector.extract_strided_slice %add3A_599 {offsets = [0, 0], sizes = [32, 2], strides = [1, 1]} : vector<32x4xf32> to vector<32x2xf32>
    %slice3A_601 = vector.extract_strided_slice %add3A_599 {offsets = [0, 2], sizes = [32, 2], strides = [1, 1]} : vector<32x4xf32> to vector<32x2xf32>
    %add3A_602 = arith.addf %slice3A_600, %slice3A_601 : vector<32x2xf32>
    %slice3A_603 = vector.extract_strided_slice %add3A_602 {offsets = [0, 0], sizes = [32, 1], strides = [1, 1]} : vector<32x2xf32> to vector<32x1xf32>
    %slice3A_604 = vector.extract_strided_slice %add3A_602 {offsets = [0, 1], sizes = [32, 1], strides = [1, 1]} : vector<32x2xf32> to vector<32x1xf32>
    %add3A_605 = arith.addf %slice3A_603, %slice3A_604 : vector<32x1xf32>
    %mul3A_606 = arith.constant 7.812500e-03 : f32
    %mul3A_607 = vector.broadcast %mul3A_606 : f32 to vector<32x1xf32>
    %mul3A_608 = arith.mulf %add3A_605, %mul3A_607 : vector<32x1xf32>
    %add3A_609 = arith.constant 9.99999974E-6 : f32
    %add3A_610 = vector.broadcast %add3A_609 : f32 to vector<32x1xf32>
    %add3A_611 = arith.addf %mul3A_608, %add3A_610 : vector<32x1xf32>
    %sqrt3A_612 = math.sqrt %add3A_611 : vector<32x1xf32>
    %div3A_613 = vector.broadcast %sqrt3A_612 : vector<32x1xf32> to vector<32x128xf32>
    %div3A_614 = arith.divf %sub3A_564, %div3A_613 : vector<32x128xf32>
    %mul3A_615 = vector.broadcast %get3A_57 : vector<1x128xf32> to vector<32x128xf32>
    %mul3A_616 = arith.mulf %div3A_614, %mul3A_615 : vector<32x128xf32>
    %add3A_617 = vector.broadcast %get3A_60 : vector<1x128xf32> to vector<32x128xf32>
    %add3A_618 = arith.addf %mul3A_616, %add3A_617 : vector<32x128xf32>
    %dot_general3A_619 = arith.constant dense<0.000000e+00> : vector<32x128xf32>
    %dot_general3A_620 = tpu.matmul %convert_element_type3A, %add3A_618, %dot_general3A_619 {dimension_numbers = #tpu.dot_dimension_numbers<[1], [0], [0], [1], [0, 0, 1, 1], [], []>, transpose_lhs_hint = false} : vector<32x32xf32>, vector<32x128xf32>, vector<32x128xf32> -> vector<32x128xf32>
    %add3A_621 = arith.addf %dot_general3A_620, %dot_general3A_14 : vector<32x128xf32>
    %div3A_622 = vector.broadcast %max3A_18 : vector<32x1xf32> to vector<32x128xf32>
    %div3A_623 = arith.divf %add3A_621, %div3A_622 : vector<32x128xf32>
    %dot_general3A_624 = arith.constant dense<0.000000e+00> : vector<32x384xf32>
    %dot_general3A_625 = tpu.matmul %div3A_623, %get3A_45, %dot_general3A_624 {dimension_numbers = #tpu.dot_dimension_numbers<[1], [1], [0], [0], [0, 0, 1, 0], [], []>, transpose_lhs_hint = false} : vector<32x128xf32>, vector<384x128xf32>, vector<32x384xf32> -> vector<32x384xf32>
    %add3A_626 = vector.broadcast %get3A_51 : vector<1x384xf32> to vector<32x384xf32>
    %add3A_627 = arith.addf %dot_general3A_625, %add3A_626 : vector<32x384xf32>
    %dot_general3A_628 = arith.constant dense<0.000000e+00> : vector<32x384xf32>
    %dot_general3A_629 = tpu.matmul %add3A_618, %get3A_48, %dot_general3A_628 {dimension_numbers = #tpu.dot_dimension_numbers<[1], [1], [0], [0], [0, 0, 1, 0], [], []>, transpose_lhs_hint = false} : vector<32x128xf32>, vector<384x128xf32>, vector<32x384xf32> -> vector<32x384xf32>
    %add3A_630 = vector.broadcast %get3A_54 : vector<1x384xf32> to vector<32x384xf32>
    %add3A_631 = arith.addf %dot_general3A_629, %add3A_630 : vector<32x384xf32>
    %slice3A_632 = vector.extract_strided_slice %add3A_627 {offsets = [0, 0], sizes = [32, 128], strides = [1, 1]} : vector<32x384xf32> to vector<32x128xf32>
    %slice3A_633 = vector.extract_strided_slice %add3A_631 {offsets = [0, 0], sizes = [32, 128], strides = [1, 1]} : vector<32x384xf32> to vector<32x128xf32>
    %add3A_634 = arith.addf %slice3A_632, %slice3A_633 : vector<32x128xf32>
    %logistic3A_635 = arith.negf %add3A_634 : vector<32x128xf32>
    %logistic3A_636 = math.exp %logistic3A_635 : vector<32x128xf32>
    %logistic3A_637 = arith.constant 1.000000e+00 : f32
    %logistic3A_638 = vector.broadcast %logistic3A_637 : f32 to vector<32x128xf32>
    %logistic3A_639 = arith.addf %logistic3A_638, %logistic3A_636 : vector<32x128xf32>
    %logistic3A_640 = arith.divf %logistic3A_638, %logistic3A_639 : vector<32x128xf32>
    %slice3A_641 = vector.extract_strided_slice %add3A_627 {offsets = [0, 128], sizes = [32, 128], strides = [1, 1]} : vector<32x384xf32> to vector<32x128xf32>
    %slice3A_642 = vector.extract_strided_slice %add3A_631 {offsets = [0, 128], sizes = [32, 128], strides = [1, 1]} : vector<32x384xf32> to vector<32x128xf32>
    %add3A_643 = arith.addf %slice3A_641, %slice3A_642 : vector<32x128xf32>
    %logistic3A_644 = arith.negf %add3A_643 : vector<32x128xf32>
    %logistic3A_645 = math.exp %logistic3A_644 : vector<32x128xf32>
    %logistic3A_646 = arith.constant 1.000000e+00 : f32
    %logistic3A_647 = vector.broadcast %logistic3A_646 : f32 to vector<32x128xf32>
    %logistic3A_648 = arith.addf %logistic3A_647, %logistic3A_645 : vector<32x128xf32>
    %logistic3A_649 = arith.divf %logistic3A_647, %logistic3A_648 : vector<32x128xf32>
    %slice3A_650 = vector.extract_strided_slice %add3A_627 {offsets = [0, 256], sizes = [32, 128], strides = [1, 1]} : vector<32x384xf32> to vector<32x128xf32>
    %slice3A_651 = vector.extract_strided_slice %add3A_631 {offsets = [0, 256], sizes = [32, 128], strides = [1, 1]} : vector<32x384xf32> to vector<32x128xf32>
    %mul3A_652 = arith.mulf %logistic3A_640, %slice3A_651 : vector<32x128xf32>
    %add3A_653 = arith.addf %slice3A_650, %mul3A_652 : vector<32x128xf32>
    %tanh3A_654 = math.tanh %add3A_653 : vector<32x128xf32>
    %sub3A_655 = arith.constant 1.000000e+00 : f32
    %sub3A_656 = vector.broadcast %sub3A_655 : f32 to vector<32x128xf32>
    %sub3A_657 = arith.subf %sub3A_656, %logistic3A_649 : vector<32x128xf32>
    %mul3A_658 = arith.mulf %sub3A_657, %tanh3A_654 : vector<32x128xf32>
    %mul3A_659 = arith.mulf %logistic3A_649, %add3A_618 : vector<32x128xf32>
    %add3A_660 = arith.addf %mul3A_658, %mul3A_659 : vector<32x128xf32>
    %slice3A_661 = vector.extract_strided_slice %add3A_660 {offsets = [0, 0], sizes = [32, 8], strides = [1, 1]} : vector<32x128xf32> to vector<32x8xf32>
    %slice3A_662 = vector.extract_strided_slice %add3A_660 {offsets = [0, 8], sizes = [32, 8], strides = [1, 1]} : vector<32x128xf32> to vector<32x8xf32>
    %add3A_663 = arith.addf %slice3A_661, %slice3A_662 : vector<32x8xf32>
    %slice3A_664 = vector.extract_strided_slice %add3A_660 {offsets = [0, 16], sizes = [32, 8], strides = [1, 1]} : vector<32x128xf32> to vector<32x8xf32>
    %add3A_665 = arith.addf %add3A_663, %slice3A_664 : vector<32x8xf32>
    %slice3A_666 = vector.extract_strided_slice %add3A_660 {offsets = [0, 24], sizes = [32, 8], strides = [1, 1]} : vector<32x128xf32> to vector<32x8xf32>
    %add3A_667 = arith.addf %add3A_665, %slice3A_666 : vector<32x8xf32>
    %slice3A_668 = vector.extract_strided_slice %add3A_660 {offsets = [0, 32], sizes = [32, 8], strides = [1, 1]} : vector<32x128xf32> to vector<32x8xf32>
    %add3A_669 = arith.addf %add3A_667, %slice3A_668 : vector<32x8xf32>
    %slice3A_670 = vector.extract_strided_slice %add3A_660 {offsets = [0, 40], sizes = [32, 8], strides = [1, 1]} : vector<32x128xf32> to vector<32x8xf32>
    %add3A_671 = arith.addf %add3A_669, %slice3A_670 : vector<32x8xf32>
    %slice3A_672 = vector.extract_strided_slice %add3A_660 {offsets = [0, 48], sizes = [32, 8], strides = [1, 1]} : vector<32x128xf32> to vector<32x8xf32>
    %add3A_673 = arith.addf %add3A_671, %slice3A_672 : vector<32x8xf32>
    %slice3A_674 = vector.extract_strided_slice %add3A_660 {offsets = [0, 56], sizes = [32, 8], strides = [1, 1]} : vector<32x128xf32> to vector<32x8xf32>
    %add3A_675 = arith.addf %add3A_673, %slice3A_674 : vector<32x8xf32>
    %slice3A_676 = vector.extract_strided_slice %add3A_660 {offsets = [0, 64], sizes = [32, 8], strides = [1, 1]} : vector<32x128xf32> to vector<32x8xf32>
    %add3A_677 = arith.addf %add3A_675, %slice3A_676 : vector<32x8xf32>
    %slice3A_678 = vector.extract_strided_slice %add3A_660 {offsets = [0, 72], sizes = [32, 8], strides = [1, 1]} : vector<32x128xf32> to vector<32x8xf32>
    %add3A_679 = arith.addf %add3A_677, %slice3A_678 : vector<32x8xf32>
    %slice3A_680 = vector.extract_strided_slice %add3A_660 {offsets = [0, 80], sizes = [32, 8], strides = [1, 1]} : vector<32x128xf32> to vector<32x8xf32>
    %add3A_681 = arith.addf %add3A_679, %slice3A_680 : vector<32x8xf32>
    %slice3A_682 = vector.extract_strided_slice %add3A_660 {offsets = [0, 88], sizes = [32, 8], strides = [1, 1]} : vector<32x128xf32> to vector<32x8xf32>
    %add3A_683 = arith.addf %add3A_681, %slice3A_682 : vector<32x8xf32>
    %slice3A_684 = vector.extract_strided_slice %add3A_660 {offsets = [0, 96], sizes = [32, 8], strides = [1, 1]} : vector<32x128xf32> to vector<32x8xf32>
    %add3A_685 = arith.addf %add3A_683, %slice3A_684 : vector<32x8xf32>
    %slice3A_686 = vector.extract_strided_slice %add3A_660 {offsets = [0, 104], sizes = [32, 8], strides = [1, 1]} : vector<32x128xf32> to vector<32x8xf32>
    %add3A_687 = arith.addf %add3A_685, %slice3A_686 : vector<32x8xf32>
    %slice3A_688 = vector.extract_strided_slice %add3A_660 {offsets = [0, 112], sizes = [32, 8], strides = [1, 1]} : vector<32x128xf32> to vector<32x8xf32>
    %add3A_689 = arith.addf %add3A_687, %slice3A_688 : vector<32x8xf32>
    %slice3A_690 = vector.extract_strided_slice %add3A_660 {offsets = [0, 120], sizes = [32, 8], strides = [1, 1]} : vector<32x128xf32> to vector<32x8xf32>
    %add3A_691 = arith.addf %add3A_689, %slice3A_690 : vector<32x8xf32>
    %slice3A_692 = vector.extract_strided_slice %add3A_691 {offsets = [0, 0], sizes = [32, 4], strides = [1, 1]} : vector<32x8xf32> to vector<32x4xf32>
    %slice3A_693 = vector.extract_strided_slice %add3A_691 {offsets = [0, 4], sizes = [32, 4], strides = [1, 1]} : vector<32x8xf32> to vector<32x4xf32>
    %add3A_694 = arith.addf %slice3A_692, %slice3A_693 : vector<32x4xf32>
    %slice3A_695 = vector.extract_strided_slice %add3A_694 {offsets = [0, 0], sizes = [32, 2], strides = [1, 1]} : vector<32x4xf32> to vector<32x2xf32>
    %slice3A_696 = vector.extract_strided_slice %add3A_694 {offsets = [0, 2], sizes = [32, 2], strides = [1, 1]} : vector<32x4xf32> to vector<32x2xf32>
    %add3A_697 = arith.addf %slice3A_695, %slice3A_696 : vector<32x2xf32>
    %slice3A_698 = vector.extract_strided_slice %add3A_697 {offsets = [0, 0], sizes = [32, 1], strides = [1, 1]} : vector<32x2xf32> to vector<32x1xf32>
    %slice3A_699 = vector.extract_strided_slice %add3A_697 {offsets = [0, 1], sizes = [32, 1], strides = [1, 1]} : vector<32x2xf32> to vector<32x1xf32>
    %add3A_700 = arith.addf %slice3A_698, %slice3A_699 : vector<32x1xf32>
    %mul3A_701 = arith.constant 7.812500e-03 : f32
    %mul3A_702 = vector.broadcast %mul3A_701 : f32 to vector<32x1xf32>
    %mul3A_703 = arith.mulf %add3A_700, %mul3A_702 : vector<32x1xf32>
    %sub3A_704 = vector.broadcast %mul3A_703 : vector<32x1xf32> to vector<32x128xf32>
    %sub3A_705 = arith.subf %add3A_660, %sub3A_704 : vector<32x128xf32>
    %mul3A_706 = arith.mulf %sub3A_705, %sub3A_705 : vector<32x128xf32>
    %slice3A_707 = vector.extract_strided_slice %mul3A_706 {offsets = [0, 0], sizes = [32, 8], strides = [1, 1]} : vector<32x128xf32> to vector<32x8xf32>
    %slice3A_708 = vector.extract_strided_slice %mul3A_706 {offsets = [0, 8], sizes = [32, 8], strides = [1, 1]} : vector<32x128xf32> to vector<32x8xf32>
    %add3A_709 = arith.addf %slice3A_707, %slice3A_708 : vector<32x8xf32>
    %slice3A_710 = vector.extract_strided_slice %mul3A_706 {offsets = [0, 16], sizes = [32, 8], strides = [1, 1]} : vector<32x128xf32> to vector<32x8xf32>
    %add3A_711 = arith.addf %add3A_709, %slice3A_710 : vector<32x8xf32>
    %slice3A_712 = vector.extract_strided_slice %mul3A_706 {offsets = [0, 24], sizes = [32, 8], strides = [1, 1]} : vector<32x128xf32> to vector<32x8xf32>
    %add3A_713 = arith.addf %add3A_711, %slice3A_712 : vector<32x8xf32>
    %slice3A_714 = vector.extract_strided_slice %mul3A_706 {offsets = [0, 32], sizes = [32, 8], strides = [1, 1]} : vector<32x128xf32> to vector<32x8xf32>
    %add3A_715 = arith.addf %add3A_713, %slice3A_714 : vector<32x8xf32>
    %slice3A_716 = vector.extract_strided_slice %mul3A_706 {offsets = [0, 40], sizes = [32, 8], strides = [1, 1]} : vector<32x128xf32> to vector<32x8xf32>
    %add3A_717 = arith.addf %add3A_715, %slice3A_716 : vector<32x8xf32>
    %slice3A_718 = vector.extract_strided_slice %mul3A_706 {offsets = [0, 48], sizes = [32, 8], strides = [1, 1]} : vector<32x128xf32> to vector<32x8xf32>
    %add3A_719 = arith.addf %add3A_717, %slice3A_718 : vector<32x8xf32>
    %slice3A_720 = vector.extract_strided_slice %mul3A_706 {offsets = [0, 56], sizes = [32, 8], strides = [1, 1]} : vector<32x128xf32> to vector<32x8xf32>
    %add3A_721 = arith.addf %add3A_719, %slice3A_720 : vector<32x8xf32>
    %slice3A_722 = vector.extract_strided_slice %mul3A_706 {offsets = [0, 64], sizes = [32, 8], strides = [1, 1]} : vector<32x128xf32> to vector<32x8xf32>
    %add3A_723 = arith.addf %add3A_721, %slice3A_722 : vector<32x8xf32>
    %slice3A_724 = vector.extract_strided_slice %mul3A_706 {offsets = [0, 72], sizes = [32, 8], strides = [1, 1]} : vector<32x128xf32> to vector<32x8xf32>
    %add3A_725 = arith.addf %add3A_723, %slice3A_724 : vector<32x8xf32>
    %slice3A_726 = vector.extract_strided_slice %mul3A_706 {offsets = [0, 80], sizes = [32, 8], strides = [1, 1]} : vector<32x128xf32> to vector<32x8xf32>
    %add3A_727 = arith.addf %add3A_725, %slice3A_726 : vector<32x8xf32>
    %slice3A_728 = vector.extract_strided_slice %mul3A_706 {offsets = [0, 88], sizes = [32, 8], strides = [1, 1]} : vector<32x128xf32> to vector<32x8xf32>
    %add3A_729 = arith.addf %add3A_727, %slice3A_728 : vector<32x8xf32>
    %slice3A_730 = vector.extract_strided_slice %mul3A_706 {offsets = [0, 96], sizes = [32, 8], strides = [1, 1]} : vector<32x128xf32> to vector<32x8xf32>
    %add3A_731 = arith.addf %add3A_729, %slice3A_730 : vector<32x8xf32>
    %slice3A_732 = vector.extract_strided_slice %mul3A_706 {offsets = [0, 104], sizes = [32, 8], strides = [1, 1]} : vector<32x128xf32> to vector<32x8xf32>
    %add3A_733 = arith.addf %add3A_731, %slice3A_732 : vector<32x8xf32>
    %slice3A_734 = vector.extract_strided_slice %mul3A_706 {offsets = [0, 112], sizes = [32, 8], strides = [1, 1]} : vector<32x128xf32> to vector<32x8xf32>
    %add3A_735 = arith.addf %add3A_733, %slice3A_734 : vector<32x8xf32>
    %slice3A_736 = vector.extract_strided_slice %mul3A_706 {offsets = [0, 120], sizes = [32, 8], strides = [1, 1]} : vector<32x128xf32> to vector<32x8xf32>
    %add3A_737 = arith.addf %add3A_735, %slice3A_736 : vector<32x8xf32>
    %slice3A_738 = vector.extract_strided_slice %add3A_737 {offsets = [0, 0], sizes = [32, 4], strides = [1, 1]} : vector<32x8xf32> to vector<32x4xf32>
    %slice3A_739 = vector.extract_strided_slice %add3A_737 {offsets = [0, 4], sizes = [32, 4], strides = [1, 1]} : vector<32x8xf32> to vector<32x4xf32>
    %add3A_740 = arith.addf %slice3A_738, %slice3A_739 : vector<32x4xf32>
    %slice3A_741 = vector.extract_strided_slice %add3A_740 {offsets = [0, 0], sizes = [32, 2], strides = [1, 1]} : vector<32x4xf32> to vector<32x2xf32>
    %slice3A_742 = vector.extract_strided_slice %add3A_740 {offsets = [0, 2], sizes = [32, 2], strides = [1, 1]} : vector<32x4xf32> to vector<32x2xf32>
    %add3A_743 = arith.addf %slice3A_741, %slice3A_742 : vector<32x2xf32>
    %slice3A_744 = vector.extract_strided_slice %add3A_743 {offsets = [0, 0], sizes = [32, 1], strides = [1, 1]} : vector<32x2xf32> to vector<32x1xf32>
    %slice3A_745 = vector.extract_strided_slice %add3A_743 {offsets = [0, 1], sizes = [32, 1], strides = [1, 1]} : vector<32x2xf32> to vector<32x1xf32>
    %add3A_746 = arith.addf %slice3A_744, %slice3A_745 : vector<32x1xf32>
    %mul3A_747 = arith.constant 7.812500e-03 : f32
    %mul3A_748 = vector.broadcast %mul3A_747 : f32 to vector<32x1xf32>
    %mul3A_749 = arith.mulf %add3A_746, %mul3A_748 : vector<32x1xf32>
    %add3A_750 = arith.constant 9.99999974E-6 : f32
    %add3A_751 = vector.broadcast %add3A_750 : f32 to vector<32x1xf32>
    %add3A_752 = arith.addf %mul3A_749, %add3A_751 : vector<32x1xf32>
    %sqrt3A_753 = math.sqrt %add3A_752 : vector<32x1xf32>
    %div3A_754 = vector.broadcast %sqrt3A_753 : vector<32x1xf32> to vector<32x128xf32>
    %div3A_755 = arith.divf %sub3A_705, %div3A_754 : vector<32x128xf32>
    %mul3A_756 = vector.broadcast %get3A_57 : vector<1x128xf32> to vector<32x128xf32>
    %mul3A_757 = arith.mulf %div3A_755, %mul3A_756 : vector<32x128xf32>
    %add3A_758 = vector.broadcast %get3A_60 : vector<1x128xf32> to vector<32x128xf32>
    %add3A_759 = arith.addf %mul3A_757, %add3A_758 : vector<32x128xf32>
    %reduce_sum3A_760 = arith.constant dense<0.000000e+00> : vector<128xf32>
    %reduce_sum3A_761 = vector.multi_reduction <add>, %add3A_759, %reduce_sum3A_760 [0] : vector<32x128xf32> to vector<128xf32>
    %broadcast_in_dim3A_762 = vector.shape_cast %reduce_sum3A_761 : vector<128xf32> to vector<1x128xf32>
    %div3A_763 = arith.constant 3.200000e+01 : f32
    %div3A_764 = vector.broadcast %div3A_763 : f32 to vector<1x128xf32>
    %div3A_765 = arith.divf %broadcast_in_dim3A_762, %div3A_764 : vector<1x128xf32>
    %reduce_max3A = arith.constant dense<0xFF800000> : vector<128xf32>
    %reduce_max3A_766 = vector.multi_reduction <maximumf>, %add3A_759, %reduce_max3A [0] : vector<32x128xf32> to vector<128xf32>
    %broadcast_in_dim3A_767 = vector.shape_cast %reduce_max3A_766 : vector<128xf32> to vector<1x128xf32>
    %concatenate3A = tpu.concatenate %div3A_765, %broadcast_in_dim3A_767 in 1 : vector<1x128xf32>, vector<1x128xf32> -> vector<1x256xf32>
    %get3A_768 = arith.constant 0 : index
    %get3A_769 = arith.constant 0 : index
    %get3A_770 = vector.load %arg13[%get3A_768, %get3A_769] : memref<128x256xf32, #tpu.memory_space<vmem>>, vector<128x256xf32>
    %dot_general3A_771 = arith.constant dense<0.000000e+00> : vector<1x128xf32>
    %dot_general3A_772 = tpu.matmul %concatenate3A, %get3A_770, %dot_general3A_771 {dimension_numbers = #tpu.dot_dimension_numbers<[1], [1], [0], [0], [0, 0, 1, 0], [], []>, transpose_lhs_hint = false} : vector<1x256xf32>, vector<128x256xf32>, vector<1x128xf32> -> vector<1x128xf32>
    %get3A_773 = arith.constant 0 : index
    %get3A_774 = arith.constant 0 : index
    %get3A_775 = vector.load %arg14[%get3A_773, %get3A_774] : memref<1x128xf32, #tpu.memory_space<vmem>>, vector<1x128xf32>
    %add3A_776 = arith.addf %dot_general3A_772, %get3A_775 : vector<1x128xf32>
    %get3A_777 = arith.constant 0 : index
    %get3A_778 = arith.constant 0 : index
    %get3A_779 = vector.load %arg15[%get3A_777, %get3A_778] : memref<1x128xf32, #tpu.memory_space<vmem>>, vector<1x128xf32>
    %get3A_780 = arith.constant 0 : index
    %get3A_781 = arith.constant 0 : index
    %get3A_782 = vector.load %arg16[%get3A_780, %get3A_781] : memref<1x128xf32, #tpu.memory_space<vmem>>, vector<1x128xf32>
    %slice3A_783 = vector.extract_strided_slice %add3A_776 {offsets = [0, 0], sizes = [1, 8], strides = [1, 1]} : vector<1x128xf32> to vector<1x8xf32>
    %slice3A_784 = vector.extract_strided_slice %add3A_776 {offsets = [0, 8], sizes = [1, 8], strides = [1, 1]} : vector<1x128xf32> to vector<1x8xf32>
    %add3A_785 = arith.addf %slice3A_783, %slice3A_784 : vector<1x8xf32>
    %slice3A_786 = vector.extract_strided_slice %add3A_776 {offsets = [0, 16], sizes = [1, 8], strides = [1, 1]} : vector<1x128xf32> to vector<1x8xf32>
    %add3A_787 = arith.addf %add3A_785, %slice3A_786 : vector<1x8xf32>
    %slice3A_788 = vector.extract_strided_slice %add3A_776 {offsets = [0, 24], sizes = [1, 8], strides = [1, 1]} : vector<1x128xf32> to vector<1x8xf32>
    %add3A_789 = arith.addf %add3A_787, %slice3A_788 : vector<1x8xf32>
    %slice3A_790 = vector.extract_strided_slice %add3A_776 {offsets = [0, 32], sizes = [1, 8], strides = [1, 1]} : vector<1x128xf32> to vector<1x8xf32>
    %add3A_791 = arith.addf %add3A_789, %slice3A_790 : vector<1x8xf32>
    %slice3A_792 = vector.extract_strided_slice %add3A_776 {offsets = [0, 40], sizes = [1, 8], strides = [1, 1]} : vector<1x128xf32> to vector<1x8xf32>
    %add3A_793 = arith.addf %add3A_791, %slice3A_792 : vector<1x8xf32>
    %slice3A_794 = vector.extract_strided_slice %add3A_776 {offsets = [0, 48], sizes = [1, 8], strides = [1, 1]} : vector<1x128xf32> to vector<1x8xf32>
    %add3A_795 = arith.addf %add3A_793, %slice3A_794 : vector<1x8xf32>
    %slice3A_796 = vector.extract_strided_slice %add3A_776 {offsets = [0, 56], sizes = [1, 8], strides = [1, 1]} : vector<1x128xf32> to vector<1x8xf32>
    %add3A_797 = arith.addf %add3A_795, %slice3A_796 : vector<1x8xf32>
    %slice3A_798 = vector.extract_strided_slice %add3A_776 {offsets = [0, 64], sizes = [1, 8], strides = [1, 1]} : vector<1x128xf32> to vector<1x8xf32>
    %add3A_799 = arith.addf %add3A_797, %slice3A_798 : vector<1x8xf32>
    %slice3A_800 = vector.extract_strided_slice %add3A_776 {offsets = [0, 72], sizes = [1, 8], strides = [1, 1]} : vector<1x128xf32> to vector<1x8xf32>
    %add3A_801 = arith.addf %add3A_799, %slice3A_800 : vector<1x8xf32>
    %slice3A_802 = vector.extract_strided_slice %add3A_776 {offsets = [0, 80], sizes = [1, 8], strides = [1, 1]} : vector<1x128xf32> to vector<1x8xf32>
    %add3A_803 = arith.addf %add3A_801, %slice3A_802 : vector<1x8xf32>
    %slice3A_804 = vector.extract_strided_slice %add3A_776 {offsets = [0, 88], sizes = [1, 8], strides = [1, 1]} : vector<1x128xf32> to vector<1x8xf32>
    %add3A_805 = arith.addf %add3A_803, %slice3A_804 : vector<1x8xf32>
    %slice3A_806 = vector.extract_strided_slice %add3A_776 {offsets = [0, 96], sizes = [1, 8], strides = [1, 1]} : vector<1x128xf32> to vector<1x8xf32>
    %add3A_807 = arith.addf %add3A_805, %slice3A_806 : vector<1x8xf32>
    %slice3A_808 = vector.extract_strided_slice %add3A_776 {offsets = [0, 104], sizes = [1, 8], strides = [1, 1]} : vector<1x128xf32> to vector<1x8xf32>
    %add3A_809 = arith.addf %add3A_807, %slice3A_808 : vector<1x8xf32>
    %slice3A_810 = vector.extract_strided_slice %add3A_776 {offsets = [0, 112], sizes = [1, 8], strides = [1, 1]} : vector<1x128xf32> to vector<1x8xf32>
    %add3A_811 = arith.addf %add3A_809, %slice3A_810 : vector<1x8xf32>
    %slice3A_812 = vector.extract_strided_slice %add3A_776 {offsets = [0, 120], sizes = [1, 8], strides = [1, 1]} : vector<1x128xf32> to vector<1x8xf32>
    %add3A_813 = arith.addf %add3A_811, %slice3A_812 : vector<1x8xf32>
    %slice3A_814 = vector.extract_strided_slice %add3A_813 {offsets = [0, 0], sizes = [1, 4], strides = [1, 1]} : vector<1x8xf32> to vector<1x4xf32>
    %slice3A_815 = vector.extract_strided_slice %add3A_813 {offsets = [0, 4], sizes = [1, 4], strides = [1, 1]} : vector<1x8xf32> to vector<1x4xf32>
    %add3A_816 = arith.addf %slice3A_814, %slice3A_815 : vector<1x4xf32>
    %slice3A_817 = vector.extract_strided_slice %add3A_816 {offsets = [0, 0], sizes = [1, 2], strides = [1, 1]} : vector<1x4xf32> to vector<1x2xf32>
    %slice3A_818 = vector.extract_strided_slice %add3A_816 {offsets = [0, 2], sizes = [1, 2], strides = [1, 1]} : vector<1x4xf32> to vector<1x2xf32>
    %add3A_819 = arith.addf %slice3A_817, %slice3A_818 : vector<1x2xf32>
    %slice3A_820 = vector.extract_strided_slice %add3A_819 {offsets = [0, 0], sizes = [1, 1], strides = [1, 1]} : vector<1x2xf32> to vector<1x1xf32>
    %slice3A_821 = vector.extract_strided_slice %add3A_819 {offsets = [0, 1], sizes = [1, 1], strides = [1, 1]} : vector<1x2xf32> to vector<1x1xf32>
    %add3A_822 = arith.addf %slice3A_820, %slice3A_821 : vector<1x1xf32>
    %mul3A_823 = arith.constant 7.812500e-03 : f32
    %mul3A_824 = vector.broadcast %mul3A_823 : f32 to vector<1x1xf32>
    %mul3A_825 = arith.mulf %add3A_822, %mul3A_824 : vector<1x1xf32>
    %sub3A_826 = vector.broadcast %mul3A_825 : vector<1x1xf32> to vector<1x128xf32>
    %sub3A_827 = arith.subf %add3A_776, %sub3A_826 : vector<1x128xf32>
    %mul3A_828 = arith.mulf %sub3A_827, %sub3A_827 : vector<1x128xf32>
    %slice3A_829 = vector.extract_strided_slice %mul3A_828 {offsets = [0, 0], sizes = [1, 8], strides = [1, 1]} : vector<1x128xf32> to vector<1x8xf32>
    %slice3A_830 = vector.extract_strided_slice %mul3A_828 {offsets = [0, 8], sizes = [1, 8], strides = [1, 1]} : vector<1x128xf32> to vector<1x8xf32>
    %add3A_831 = arith.addf %slice3A_829, %slice3A_830 : vector<1x8xf32>
    %slice3A_832 = vector.extract_strided_slice %mul3A_828 {offsets = [0, 16], sizes = [1, 8], strides = [1, 1]} : vector<1x128xf32> to vector<1x8xf32>
    %add3A_833 = arith.addf %add3A_831, %slice3A_832 : vector<1x8xf32>
    %slice3A_834 = vector.extract_strided_slice %mul3A_828 {offsets = [0, 24], sizes = [1, 8], strides = [1, 1]} : vector<1x128xf32> to vector<1x8xf32>
    %add3A_835 = arith.addf %add3A_833, %slice3A_834 : vector<1x8xf32>
    %slice3A_836 = vector.extract_strided_slice %mul3A_828 {offsets = [0, 32], sizes = [1, 8], strides = [1, 1]} : vector<1x128xf32> to vector<1x8xf32>
    %add3A_837 = arith.addf %add3A_835, %slice3A_836 : vector<1x8xf32>
    %slice3A_838 = vector.extract_strided_slice %mul3A_828 {offsets = [0, 40], sizes = [1, 8], strides = [1, 1]} : vector<1x128xf32> to vector<1x8xf32>
    %add3A_839 = arith.addf %add3A_837, %slice3A_838 : vector<1x8xf32>
    %slice3A_840 = vector.extract_strided_slice %mul3A_828 {offsets = [0, 48], sizes = [1, 8], strides = [1, 1]} : vector<1x128xf32> to vector<1x8xf32>
    %add3A_841 = arith.addf %add3A_839, %slice3A_840 : vector<1x8xf32>
    %slice3A_842 = vector.extract_strided_slice %mul3A_828 {offsets = [0, 56], sizes = [1, 8], strides = [1, 1]} : vector<1x128xf32> to vector<1x8xf32>
    %add3A_843 = arith.addf %add3A_841, %slice3A_842 : vector<1x8xf32>
    %slice3A_844 = vector.extract_strided_slice %mul3A_828 {offsets = [0, 64], sizes = [1, 8], strides = [1, 1]} : vector<1x128xf32> to vector<1x8xf32>
    %add3A_845 = arith.addf %add3A_843, %slice3A_844 : vector<1x8xf32>
    %slice3A_846 = vector.extract_strided_slice %mul3A_828 {offsets = [0, 72], sizes = [1, 8], strides = [1, 1]} : vector<1x128xf32> to vector<1x8xf32>
    %add3A_847 = arith.addf %add3A_845, %slice3A_846 : vector<1x8xf32>
    %slice3A_848 = vector.extract_strided_slice %mul3A_828 {offsets = [0, 80], sizes = [1, 8], strides = [1, 1]} : vector<1x128xf32> to vector<1x8xf32>
    %add3A_849 = arith.addf %add3A_847, %slice3A_848 : vector<1x8xf32>
    %slice3A_850 = vector.extract_strided_slice %mul3A_828 {offsets = [0, 88], sizes = [1, 8], strides = [1, 1]} : vector<1x128xf32> to vector<1x8xf32>
    %add3A_851 = arith.addf %add3A_849, %slice3A_850 : vector<1x8xf32>
    %slice3A_852 = vector.extract_strided_slice %mul3A_828 {offsets = [0, 96], sizes = [1, 8], strides = [1, 1]} : vector<1x128xf32> to vector<1x8xf32>
    %add3A_853 = arith.addf %add3A_851, %slice3A_852 : vector<1x8xf32>
    %slice3A_854 = vector.extract_strided_slice %mul3A_828 {offsets = [0, 104], sizes = [1, 8], strides = [1, 1]} : vector<1x128xf32> to vector<1x8xf32>
    %add3A_855 = arith.addf %add3A_853, %slice3A_854 : vector<1x8xf32>
    %slice3A_856 = vector.extract_strided_slice %mul3A_828 {offsets = [0, 112], sizes = [1, 8], strides = [1, 1]} : vector<1x128xf32> to vector<1x8xf32>
    %add3A_857 = arith.addf %add3A_855, %slice3A_856 : vector<1x8xf32>
    %slice3A_858 = vector.extract_strided_slice %mul3A_828 {offsets = [0, 120], sizes = [1, 8], strides = [1, 1]} : vector<1x128xf32> to vector<1x8xf32>
    %add3A_859 = arith.addf %add3A_857, %slice3A_858 : vector<1x8xf32>
    %slice3A_860 = vector.extract_strided_slice %add3A_859 {offsets = [0, 0], sizes = [1, 4], strides = [1, 1]} : vector<1x8xf32> to vector<1x4xf32>
    %slice3A_861 = vector.extract_strided_slice %add3A_859 {offsets = [0, 4], sizes = [1, 4], strides = [1, 1]} : vector<1x8xf32> to vector<1x4xf32>
    %add3A_862 = arith.addf %slice3A_860, %slice3A_861 : vector<1x4xf32>
    %slice3A_863 = vector.extract_strided_slice %add3A_862 {offsets = [0, 0], sizes = [1, 2], strides = [1, 1]} : vector<1x4xf32> to vector<1x2xf32>
    %slice3A_864 = vector.extract_strided_slice %add3A_862 {offsets = [0, 2], sizes = [1, 2], strides = [1, 1]} : vector<1x4xf32> to vector<1x2xf32>
    %add3A_865 = arith.addf %slice3A_863, %slice3A_864 : vector<1x2xf32>
    %slice3A_866 = vector.extract_strided_slice %add3A_865 {offsets = [0, 0], sizes = [1, 1], strides = [1, 1]} : vector<1x2xf32> to vector<1x1xf32>
    %slice3A_867 = vector.extract_strided_slice %add3A_865 {offsets = [0, 1], sizes = [1, 1], strides = [1, 1]} : vector<1x2xf32> to vector<1x1xf32>
    %add3A_868 = arith.addf %slice3A_866, %slice3A_867 : vector<1x1xf32>
    %mul3A_869 = arith.constant 7.812500e-03 : f32
    %mul3A_870 = vector.broadcast %mul3A_869 : f32 to vector<1x1xf32>
    %mul3A_871 = arith.mulf %add3A_868, %mul3A_870 : vector<1x1xf32>
    %add3A_872 = arith.constant 9.99999974E-6 : f32
    %add3A_873 = vector.broadcast %add3A_872 : f32 to vector<1x1xf32>
    %add3A_874 = arith.addf %mul3A_871, %add3A_873 : vector<1x1xf32>
    %sqrt3A_875 = math.sqrt %add3A_874 : vector<1x1xf32>
    %div3A_876 = vector.broadcast %sqrt3A_875 : vector<1x1xf32> to vector<1x128xf32>
    %div3A_877 = arith.divf %sub3A_827, %div3A_876 : vector<1x128xf32>
    %mul3A_878 = arith.mulf %div3A_877, %get3A_779 : vector<1x128xf32>
    %add3A_879 = arith.addf %mul3A_878, %get3A_782 : vector<1x128xf32>
    %max3A_880 = arith.constant 0.000000e+00 : f32
    %max3A_881 = vector.broadcast %max3A_880 : f32 to vector<1x128xf32>
    %max3A_882 = arith.maximumf %add3A_879, %max3A_881 : vector<1x128xf32>
    %get3A_883 = arith.constant 0 : index
    %get3A_884 = arith.constant 0 : index
    %get3A_885 = vector.load %arg17[%get3A_883, %get3A_884] : memref<1x128xf32, #tpu.memory_space<vmem>>, vector<1x128xf32>
    %mul3A_886 = arith.mulf %max3A_882, %get3A_885 : vector<1x128xf32>
    %get3A_887 = arith.constant 0 : index
    %get3A_888 = arith.constant 0 : index
    %get3A_889 = vector.load %arg18[%get3A_887, %get3A_888] : memref<1x128xf32, #tpu.memory_space<vmem>>, vector<1x128xf32>
    %mul3A_890 = arith.constant 7.812500e-03 : f32
    %mul3A_891 = vector.broadcast %mul3A_890 : f32 to vector<1x128xf32>
    %mul3A_892 = arith.mulf %get3A_889, %mul3A_891 : vector<1x128xf32>
    %add3A_893 = arith.addf %mul3A_886, %mul3A_892 : vector<1x128xf32>
    %reduce_sum3A_894 = arith.constant dense<0.000000e+00> : vector<1xf32>
    %reduce_sum3A_895 = vector.multi_reduction <add>, %add3A_893, %reduce_sum3A_894 [1] : vector<1x128xf32> to vector<1xf32>
    %broadcast_in_dim3A_896 = vector.shape_cast %reduce_sum3A_895 : vector<1xf32> to vector<1x1xf32>
    %swap3A = arith.constant 0 : index
    %swap3A_897 = arith.constant 0 : index
    %swap3A_898 = vector.load %arg19[%swap3A, %swap3A_897] : memref<1x1xf32, #tpu.memory_space<vmem>>, vector<1x1xf32>
    tpu.vector_store %arg19[%swap3A, %swap3A_897], %broadcast_in_dim3A_896 {strides = array<i32>} : memref<1x1xf32, #tpu.memory_space<vmem>>, vector<1x1xf32>,
    return
  }
}

</mosaic_0001>

<sc_bundles>
// kernel: kernel.4.cloned.1.call-start
scs
__scs_entry_jumppad:
0x0: {  	(pc) =	sbr.rel $0x88, $3  }
0x1: {  	(tag) =	ssettag $0x0;
	lr =	simm.s32 $0x1  }
0x2: {  	[smem:$0x3F8D] =	sst lr;
	_ =	strace $0xD0000000  }
0x3: {  	_ = 	snop  }
0x4: {  	_ = 	snop  }
0x5: {  	_ = 	snop  }
0x6: {  	_ = 	snop  }
0x7: {  	_ = 	snop  }
__scs_overlays_trampoline_lowered:
0x8: {  	[smem:$0x3F9C] =	sst s0  }
0x9: {  	[smem:$0x3F9D] =	sst s1  }
0xa: {  	[smem:$0x3F9E] =	sst s2  }
0xb: {  	[smem:$0x3F9F] =	sst s3  }
0xc: {  	[smem:$0x3FA0] =	sst s4  }
0xd: {  	[smem:$0x3FA1] =	sst s5  }
0xe: {  	[smem:$0x3FA2] =	sst s6  }
0xf: {  	[smem:$0x3FA3] =	sst s7  }
0x10: {  	[smem:$0x3FA4] =	sst s8  }
0x11: {  	[smem:$0x3FA5] =	sst s9;
	s0 =	simm.s32 @!p0 $0x0  }
0x12: {  	s1 =	sld [smem:$0x3F8B];
	s0 =	simm.s32 @p0 $0x1  }
0x13: {  	[smem:$0x3FA6] =	sst s0;
	s0 =	simm.s32 @!p1 $0x0  }
0x14: {  	s2 =	sld [smem:$0x3F8A];
	s0 =	simm.s32 @p1 $0x1  }
0x15: {  	[smem:$0x3FA7] =	sst s0;
	s0 =	simm.s32 @!p2 $0x0  }
0x16: {  	s3 =	sld [smem:$0x3FDB];
	s0 =	simm.s32 @p2 $0x1  }
0x17: {  	s4 =	simm.s32 $0x1BF5;
	[smem:$0x3FA9] =	sst s0  }
0x18: {  	s0 =	sld [smem:$0x3F8C];
	_ =	swait.ge [sflag:s4], $0x0  }
0x19: {  	s7 =	sld [smem:$0x3F8D]  }
0x1a: {  	s8 =	sadd.s32 $0xFFFFE003, lr  }
0x1b: {  	s9 =	sadd.s32 $0xFFFFFEF7, lr;
	s5 =	simm.s32 $0xFFFFFFFF;
	p2 =	slt.u32 s8, $0xFFFFF086  }
0x1c: {  	p1 =	slt.u32 s9, $0xF7A;
	s5 =	simm.s32 @!p2 $0x0  }
0x1d: {  	s5 =	simm.s32 @p1 $0x1;
	p0 =	seq.s32 s7, s2  }
0x1e: {  	s7 =	smul.u32 @!p0 $0xF7A, s2;
	p2 =	seq.s32 @!p0 s5, $0x0  }
0x1f: {  	s9 =	smul.u32 $0xF7A, s1;
	s8 =	simm.s32 @!p0 $0x1BF5;
	p2 =	por !p2, p0  }
0x20: {  	[sflag:s8] =	ssyncset.s32 @!p0 $0xFFFFF086;
	s6 =	sadd.s32 @!p0 s3, s7;
	s7 =	simm.s32 @!p0 $0x108  }
0x21: {  	s3 =	sadd.s32 s3, s9;
	s6 =	sadd.s32 @!p0 $0x88, s6;
	s7 =	simm.s32 @p2 $0x1082  }
0x22: {  	[simem:s7], [sflag:s8] =	dma.local @!p0 [hbm:s6], $0xF7A  }
0x23: {  	s9 =	sor.u32 $0xD0000000, s2;
	s6 =	simm.s32 $0x108;
	_ =	swait.ge @!p0 [sflag:s8], $0x0  }
0x24: {  	s3 =	sadd.s32 $0x88, s3;
	s6 =	simm.s32 @!p1 $0x1082;
	[sflag:s4] =	ssyncset.s32 $0xFFFFF086  }
0x25: {  	[simem:s6], [sflag:s4] =	dma.local [hbm:s3], $0xF7A  }
0x26: {  	[smem:$0x3F8D] =	sst s1;
	(tag) =	ssettag s2;
	_ =	strace s9  }
0x27: {  	s1 =	sld [smem:$0x3F9D]  }
0x28: {  	s2 =	sld [smem:$0x3F9E]  }
0x29: {  	s4 =	sld [smem:$0x3FA0]  }
0x2a: {  	p0 =	seq.s32 s5, $0x0;
	s5 =	sld [smem:$0x3FA1]  }
0x2b: {  	s6 =	sld [smem:$0x3FA2]  }
0x2c: {  	s7 =	sld [smem:$0x3FA3]  }
0x2d: {  	s3 =	simm.s32 $0x108;
	s8 =	sld [smem:$0x3FA4]  }
0x2e: {  	s3 =	simm.s32 @!p0 $0x1082;
	s9 =	sld [smem:$0x3FA5]  }
0x2f: {  	lr =	sadd.s32 s0, s3;
	s0 =	sld [smem:$0x3F9C]  }
0x30: {  	s3 =	sld [smem:$0x3F9F]  }
0x31: {  	[smem:$0x3FA8] =	sst s10  }
0x32: {  	s10 =	sld [smem:$0x3FA6];
	_ =	sdelay $0x3  }
0x33: {  	p0 =	seq.s32 s10, $0x1;
	s10 =	sld [smem:$0x3FA8];
	_ =	sdelay $0x3  }
0x34: {  	[smem:$0x3FA8] =	sst s10  }
0x35: {  	s10 =	sld [smem:$0x3FA7];
	_ =	sdelay $0x3  }
0x36: {  	p1 =	seq.s32 s10, $0x1;
	s10 =	sld [smem:$0x3FA8];
	_ =	sdelay $0x3  }
0x37: {  	[smem:$0x3FA8] =	sst s10  }
0x38: {  	s10 =	sld [smem:$0x3FA9]  }
0x39: {  	_ = 	snop;
	(pc) =	sbr.ind lr, $3  }
0x3a: {  	_ = 	snop  }
0x3b: {  	_ = 	snop  }
0x3c: {  	p2 =	seq.s32 s10, $0x1;
	s10 =	sld [smem:$0x3FA8]  }
0x3d: {  	_ =	shalt  }
0x3e: {  	_ =	shalt  }
0x3f: {  	_ =	shalt  }
0x40: {  	_ =	shalt  }
0x41: {  	_ =	shalt  }
0x42: {  	_ =	shalt  }
0x43: {  	_ =	shalt  }
0x44: {  	_ =	shalt  }
0x45: {  	_ =	shalt  }
0x46: {  	_ =	shalt  }
0x47: {  	_ =	shalt  }
0x48: {  	_ =	shalt  }
0x49: {  	_ =	shalt  }
0x4a: {  	_ =	shalt  }
0x4b: {  	_ =	shalt  }
0x4c: {  	_ =	shalt  }
0x4d: {  	_ =	shalt  }
0x4e: {  	_ =	shalt  }
0x4f: {  	_ =	shalt  }
0x50: {  	_ =	shalt  }
0x51: {  	_ =	shalt  }
0x52: {  	_ =	shalt  }
0x53: {  	_ =	shalt  }
0x54: {  	_ =	shalt  }
0x55: {  	_ =	shalt  }
0x56: {  	_ =	shalt  }
0x57: {  	_ =	shalt  }
0x58: {  	_ =	shalt  }
0x59: {  	_ =	shalt  }
0x5a: {  	_ =	shalt  }
0x5b: {  	_ =	shalt  }
0x5c: {  	_ =	shalt  }
0x5d: {  	_ =	shalt  }
0x5e: {  	_ =	shalt  }
0x5f: {  	_ =	shalt  }
0x60: {  	_ =	shalt  }
0x61: {  	_ =	shalt  }
0x62: {  	_ =	shalt  }
0x63: {  	_ =	shalt  }
0x64: {  	_ =	shalt  }
0x65: {  	_ =	shalt  }
0x66: {  	_ =	shalt  }
0x67: {  	_ =	shalt  }
0x68: {  	_ =	shalt  }
0x69: {  	_ =	shalt  }
0x6a: {  	_ =	shalt  }
0x6b: {  	_ =	shalt  }
0x6c: {  	_ =	shalt  }
0x6d: {  	_ =	shalt  }
0x6e: {  	_ =	shalt  }
0x6f: {  	_ =	shalt  }
0x70: {  	_ =	shalt  }
0x71: {  	_ =	shalt  }
0x72: {  	_ =	shalt  }
0x73: {  	_ =	shalt  }
0x74: {  	_ =	shalt  }
0x75: {  	_ =	shalt  }
0x76: {  	_ =	shalt  }
0x77: {  	_ =	shalt  }
0x78: {  	_ =	shalt  }
0x79: {  	_ =	shalt  }
0x7a: {  	_ =	shalt  }
0x7b: {  	_ =	shalt  }
0x7c: {  	_ =	shalt  }
0x7d: {  	_ =	shalt  }
0x7e: {  	_ =	shalt  }
0x7f: {  	_ =	shalt  }
0x80: {  	_ =	shalt  }
0x81: {  	_ =	shalt  }
0x82: {  	_ =	shalt  }
0x83: {  	_ =	shalt  }
0x84: {  	_ =	shalt  }
0x85: {  	_ =	shalt  }
0x86: {  	_ =	shalt  }
0x87: {  	_ =	shalt  }
.Lfunc_end0:
.L_simem_size_0:
called_computation_lowered:
.L_overlay_start_0:
0x88: {  	s0 =	sld [smem:$0x3FD9]  }
0x89: {  	s1 =	sld [smem:$0x3FFE];
	_ =	sdelay $0x3  }
0x8a: {  	s0 =	sadd.s32 s1, s0  }
0x8b: {  	[smem:$0x3FB4] =	sst s0  }
0x8c: {  	_ = 	snop  }
0x8d: {  	s0 =	sld [smem:$0x3FC7]  }
0x8e: {  	s16 =	sld [smem:$0x3FC6]  }
0x8f: {  	s2 =	sld [smem:$0x3FC5];
	(tm) =	ssettm $0x1  }
0x90: {  	s3 =	sld [smem:$0x3FFB];
	_ =	sdelay $0x3  }
0x91: {  	_ =	strace s3  }
0x92: {  	s3 =	sld [smem:$0x3FFC];
	_ =	sdelay $0x3  }
0x93: {  	_ =	strace s3  }
0x94: {  	s3 =	sld [smem:$0x3FFD];
	_ =	sdelay $0x3  }
0x95: {  	_ =	strace s3  }
0x96: {  	_ =	strace $0x8FFFFFFF  }
0x97: {  	s17 =	sld [smem:$0x3FDB];
	_ =	sdelay $0x1  }
0x98: {  	s4 =	simm.s32 $_scs_section_size  }
0x99: {  	s5 =	simm.s32 $_size__tile_overlayer_lowered;
	s6 =	simm.s32 $_tile_overlayer_lowered  }
0x9a: {  	s20 =	simm.s32 $0x1BFF;
	s19 =	sshll.u32 s6, $0x1;
	s3 =	sadd.s32 s4, s17  }
0x9b: {  	s7 =	simm.s32 $0x0;
	s18 =	sshll.u32 s5, $0x1;
	s5 =	sadd.s32 s19, s3  }
0x9c: {  	[timem:s7], [sflag:s20] =	dma.local [hbm:s5], s18  }
0x9d: {  	_ =	swait.ge [sflag:s20], s18  }
0x9e: {  	s4 =	ssub.s32 $0x0, s18;
	[sflag:s20] =	ssyncset.done $0x0  }
0x9f: {  	[sflag:s20] =	ssyncadd.s32 s4;
	_ =	sdelay $0x1  }
0xa0: {  	s21 =	simm.s32 $0x1B8B  }
0xa1: {  	_ =	swait.ge [sflag:s21], $0x1  }
0xa2: {  	[sflag:s21] =	ssyncset.done $0x0  }
0xa3: {  	s23 =	simm.s32 $0x1B8E;
	s22 =	sld [smem:$0x3FFE];
	[sflag:s21] =	ssyncadd.s32 $0xFFFFFFFF  }
0xa4: {  	s24 =	simm.s32 $execute0_lowered;
	[smem:$0x3FD2] =	sst s23  }
0xa5: {  	s5 =	sshll.u32 s24, $0x1;
	_ =	strace $0x80000046;
	[dreg:$0x1] =	wrdreg $0xFFFFFFFF  }
0xa6: {  	s25 =	simm.s32 $_size_execute0_lowered;
	s3 =	sadd.s32 s3, s5;
	[dreg:$0x0] =	wrdreg $0x0  }
0xa7: {  	s5 =	sshll.u32 s25, $0x1;
	[dreg:$0x2] =	wrdreg s3  }
0xa8: {  	[dreg:$0x3] =	wrdreg s5  }
0xa9: {  	[dreg:$0x4] =	wrdreg $0xC0  }
0xaa: {  	_ =	task [dreg:s7], $0x5FFFF  }
0xab: {  	[dreg:$0x1] =	wrdreg $0xFFFFFFFF  }
0xac: {  	[dreg:$0x0] =	wrdreg $0x60  }
0xad: {  	[dreg:$0x2] =	wrdreg s0  }
0xae: {  	[dreg:$0x3] =	wrdreg s16  }
0xaf: {  	[dreg:$0x4] =	wrdreg s2  }
0xb0: {  	[dreg:$0x5] =	wrdreg s22  }
0xb1: {  	[dreg:$0x6] =	wrdreg $0x9  }
0xb2: {  	_ =	task.clear_ibuf [dreg:s7], $0x7FFFF;
	_ =	strace $0x90000046  }
0xb3: {  	s26 =	simm.s32 $0x9;
	_ =	strace $0x80000048  }
0xb4: {  	_ =	swait.ge [sflag:s26], $0x1  }
0xb5: {  	[sflag:s26] =	ssyncadd.s32 $0xFFFFFFFF  }
0xb6: {  	_ =	strace $0x90000048  }
0xb7: {  	_ =	sfence  }
0xb8: {  	s28 =	sld [smem:$0x0];
	_ =	sdelay $0x1  }
0xb9: {  	s29 =	srdreg.scid  }
0xba: {  	s30 =	sshll.u32 s29, $0xD;
	s31 =	sshrl.u32 s29, $0x2  }
0xbb: {  	s1 =	sand.u32 $0x1, s29;
	s2 =	sand.u32 $0x4000, s30;
	s0 =	sadd.s32 s31, s28  }
0xbc: {  	s1 =	sor.u32 s2, s1;
	s0 =	sshll.u32 s0, $0x11  }
0xbd: {  	s0 =	sor.u32 s0, s1  }
0xbe: {  	s0 =	sadd.s32 $0x8F2B, s0  }
0xbf: {  	[sflag:s0] =	ssyncadd.remote.s32 $0x1  }
0xc0: {  	_ =	sfence.sel $0xFFFF  }
0xc1: {  	[dreg:$0x0] =	wrdreg $0xFFFFFFFF;
	(pc) =	sbr.abs _section_cstart, $3  }
0xc2: {  	[dreg:$0x1] =	wrdreg $0xFFFFFFFF  }
0xc3: {  	_ =	task.clear_ibuf [dreg:s7], $0x2FFFF;
	_ =	strace $0x9FFFFFFF  }
0xc4: {  	(tm) =	ssettm $0x7FFFFFFF  }
0xc5: {  	_ =	shalt  }
tec
execute0_lowered:
.L_overlay_start_1:
0x0: {  	(tag) =	ssettag $0x1  }
0x1: {  	s4 =	rddreg [dreg:$0x0]  }
0x2: {  	s5 =	rddreg [dreg:$0x1]  }
0x3: {  	s6 =	rddreg [dreg:$0x2]  }
0x4: {  	s3 =	rddreg [dreg:$0x3];
	s2 =	simm.s32 $0x0;
	s1 =	stileid.u32  }
0x5: {  	[smem:$0x7FF] =	sst s2;
	s7 =	sshll.u32 s1, $0x4  }
0x6: {  	s0 =	rddreg [dreg:$0x4];
	_ =	strace $0x80000047;
	s4 =	sadd.s32 s4, s7  }
0x7: {  	[tilespmem:s2], [sflag:$0x1] =	stream.linear.gather [hbm4b:s4+s2], $0x80, $0x38;
	[tilespmem:$0x2180] =	vst v63  }
0x8: {  	s24 =	simm.s32 $0x80;
	s23 =	sadd.s32 s5, s7  }
0x9: {  	[tilespmem:s24], [sflag:$0x1] =	stream.linear.gather [hbm4b:s23+s2], $0x80, $0x38;
	[tilespmem:$0x2180] =	vst v63  }
0xa: {  	s26 =	simm.s32 $0x100;
	s25 =	sadd.s32 s6, s7  }
0xb: {  	v0 =	vimm.s32 $0x0;
	[tilespmem:s26], [sflag:$0x1] =	stream.linear.gather [hbm4b:s25+s2], $0x80, $0x38;
	[tilespmem:$0x2180] =	vst v63  }
0xc: {  	[tilespmem:$0x180] =	vst v0  }
0xd: {  	[tilespmem:$0x190] =	vst v0  }
0xe: {  	[tilespmem:$0x1180] =	vst v0  }
0xf: {  	[tilespmem:$0x200] =	vst v0  }
0x10: {  	[tilespmem:$0x210] =	vst v0  }
0x11: {  	[tilespmem:$0x1200] =	vst v0  }
0x12: {  	[tilespmem:$0x280] =	vst v0  }
0x13: {  	[tilespmem:$0x290] =	vst v0  }
0x14: {  	[tilespmem:$0x1280] =	vst v0  }
0x15: {  	[tilespmem:$0x300] =	vst v0  }
0x16: {  	[tilespmem:$0x310] =	vst v0  }
0x17: {  	[tilespmem:$0x1300] =	vst v0  }
0x18: {  	[tilespmem:$0x380] =	vst v0  }
0x19: {  	[tilespmem:$0x390] =	vst v0  }
0x1a: {  	[tilespmem:$0x1380] =	vst v0  }
0x1b: {  	[tilespmem:$0x400] =	vst v0  }
0x1c: {  	[tilespmem:$0x410] =	vst v0  }
0x1d: {  	[tilespmem:$0x1400] =	vst v0  }
0x1e: {  	[tilespmem:$0x480] =	vst v0  }
0x1f: {  	[tilespmem:$0x490] =	vst v0  }
0x20: {  	[tilespmem:$0x1480] =	vst v0  }
0x21: {  	[tilespmem:$0x500] =	vst v0  }
0x22: {  	[tilespmem:$0x510] =	vst v0  }
0x23: {  	[tilespmem:$0x1500] =	vst v0  }
0x24: {  	[tilespmem:$0x580] =	vst v0  }
0x25: {  	[tilespmem:$0x590] =	vst v0  }
0x26: {  	[tilespmem:$0x1580] =	vst v0  }
0x27: {  	[tilespmem:$0x600] =	vst v0  }
0x28: {  	[tilespmem:$0x610] =	vst v0  }
0x29: {  	[tilespmem:$0x1600] =	vst v0  }
0x2a: {  	[tilespmem:$0x680] =	vst v0  }
0x2b: {  	[tilespmem:$0x690] =	vst v0  }
0x2c: {  	[tilespmem:$0x1680] =	vst v0  }
0x2d: {  	[tilespmem:$0x700] =	vst v0  }
0x2e: {  	[tilespmem:$0x710] =	vst v0  }
0x2f: {  	[tilespmem:$0x1700] =	vst v0  }
0x30: {  	[tilespmem:$0x780] =	vst v0  }
0x31: {  	[tilespmem:$0x790] =	vst v0  }
0x32: {  	[tilespmem:$0x1780] =	vst v0  }
0x33: {  	[tilespmem:$0x800] =	vst v0  }
0x34: {  	[tilespmem:$0x810] =	vst v0  }
0x35: {  	[tilespmem:$0x1800] =	vst v0  }
0x36: {  	[tilespmem:$0x880] =	vst v0  }
0x37: {  	[tilespmem:$0x890] =	vst v0  }
0x38: {  	[tilespmem:$0x1880] =	vst v0  }
0x39: {  	[tilespmem:$0x900] =	vst v0  }
0x3a: {  	[tilespmem:$0x910] =	vst v0  }
0x3b: {  	[tilespmem:$0x1900] =	vst v0  }
0x3c: {  	[tilespmem:$0x980] =	vst v0  }
0x3d: {  	[tilespmem:$0x990] =	vst v0  }
0x3e: {  	[tilespmem:$0x1980] =	vst v0  }
0x3f: {  	[tilespmem:$0xA00] =	vst v0  }
0x40: {  	[tilespmem:$0xA10] =	vst v0  }
0x41: {  	[tilespmem:$0x1A00] =	vst v0  }
0x42: {  	[tilespmem:$0xA80] =	vst v0  }
0x43: {  	[tilespmem:$0xA90] =	vst v0  }
0x44: {  	[tilespmem:$0x1A80] =	vst v0  }
0x45: {  	[tilespmem:$0xB00] =	vst v0  }
0x46: {  	[tilespmem:$0xB10] =	vst v0  }
0x47: {  	[tilespmem:$0x1B00] =	vst v0  }
0x48: {  	[tilespmem:$0xB80] =	vst v0  }
0x49: {  	[tilespmem:$0xB90] =	vst v0  }
0x4a: {  	[tilespmem:$0x1B80] =	vst v0  }
0x4b: {  	[tilespmem:$0xC00] =	vst v0  }
0x4c: {  	[tilespmem:$0xC10] =	vst v0  }
0x4d: {  	[tilespmem:$0x1C00] =	vst v0  }
0x4e: {  	[tilespmem:$0xC80] =	vst v0  }
0x4f: {  	[tilespmem:$0xC90] =	vst v0  }
0x50: {  	[tilespmem:$0x1C80] =	vst v0  }
0x51: {  	[tilespmem:$0xD00] =	vst v0  }
0x52: {  	[tilespmem:$0xD10] =	vst v0  }
0x53: {  	[tilespmem:$0x1D00] =	vst v0  }
0x54: {  	[tilespmem:$0xD80] =	vst v0  }
0x55: {  	[tilespmem:$0xD90] =	vst v0  }
0x56: {  	[tilespmem:$0x1D80] =	vst v0  }
0x57: {  	[tilespmem:$0xE00] =	vst v0  }
0x58: {  	[tilespmem:$0xE10] =	vst v0  }
0x59: {  	[tilespmem:$0x1E00] =	vst v0  }
0x5a: {  	[tilespmem:$0xE80] =	vst v0  }
0x5b: {  	[tilespmem:$0xE90] =	vst v0  }
0x5c: {  	[tilespmem:$0x1E80] =	vst v0  }
0x5d: {  	[tilespmem:$0xF00] =	vst v0  }
0x5e: {  	[tilespmem:$0xF10] =	vst v0  }
0x5f: {  	[tilespmem:$0x1F00] =	vst v0  }
0x60: {  	[tilespmem:$0xF80] =	vst v0  }
0x61: {  	[tilespmem:$0xF90] =	vst v0  }
0x62: {  	[tilespmem:$0x1F80] =	vst v0  }
0x63: {  	[tilespmem:$0x1000] =	vst v0  }
0x64: {  	[tilespmem:$0x1010] =	vst v0  }
0x65: {  	[tilespmem:$0x2000] =	vst v0  }
0x66: {  	[tilespmem:$0x1080] =	vst v0  }
0x67: {  	[tilespmem:$0x1090] =	vst v0  }
0x68: {  	[tilespmem:$0x2080] =	vst v0  }
0x69: {  	[tilespmem:$0x1100] =	vst v0  }
0x6a: {  	[tilespmem:$0x1110] =	vst v0  }
0x6b: {  	s28 =	simm.s32 $0x1;
	[tilespmem:$0x2100] =	vst v0  }
0x6c: {  	_ =	swait.ge [sflag:s28], $0x80  }
0x6d: {  	[sflag:s28] =	ssyncset.done $0x0  }
0x6e: {  	[sflag:s28] =	ssyncadd.s32 $0xFFFFFF80  }
0x6f: {  	_ =	swait.ge [sflag:s28], $0x80  }
0x70: {  	[sflag:s28] =	ssyncset.done $0x0  }
0x71: {  	[sflag:s28] =	ssyncadd.s32 $0xFFFFFF80  }
0x72: {  	_ =	swait.ge [sflag:s28], $0x80  }
0x73: {  	[sflag:s28] =	ssyncset.done $0x0  }
0x74: {  	[sflag:s28] =	ssyncadd.s32 $0xFFFFFF80  }
0x75: {  	v41 =	vld [tilespmem:$0x0]  }
0x76: {  	v1 =	vld [tilespmem:$0x80];
	_ =	sdelay $0x3  }
0x77: {  	v2 =	vld [tilespmem:$0x100]  }
0x78: {  	vm0 =	vlt.s32 v41, $0x20;
	vm1 =	vlt.s32 v1, $0x20  }
0x79: {  	vm0 =	vmand vm0, vm1  }
0x7a: {  	v1 =	vshll.u32 v1, $0x7;
	v0 =	vnsel vm0, $0x0, v41  }
0x7b: {  	v1 =	vnsel vm0, $0x0, v1;
	v3 =	vand.u32 $0xFFFFFF80, v0  }
0x7c: {  	v4 =	vand.u32 $0xFFFFFF80, v2;
	v0 =	vand.u32 $0x7F, v0;
	v3 =	vadd.s32 v1, v3  }
0x7d: {  	v42 =	vand.u32 $0x7F, v2;
	v1 =	vadd.s32 v4, v1;
	v3 =	vor.u32 v0, v3  }
0x7e: {  	v1 =	vor.u32 v42, v1;
	_ =	sdelay $0x2  }
0x7f: {  	v43 =	vimm.s32 $0x1;
	s29 =	simm.s32 $0x180  }
0x80: {  	s30 =	simm.s32 $0x1180;
	[tilespmem:v3+s29+$0x0] =	vst.idx.add.s32.msk vm0, v43  }
0x81: {  	[tilespmem:v1+s30+$0x0] =	vst.idx.add.s32.msk vm0, v43  }
0x82: {  	v1 =	vld [tilespmem:$0x10]  }
0x83: {  	v44 =	vld [tilespmem:$0x90];
	_ =	sdelay $0x3  }
0x84: {  	v3 =	vld [tilespmem:$0x110]  }
0x85: {  	vm14 =	vlt.s32 v1, $0x20;
	vm15 =	vlt.s32 v44, $0x20  }
0x86: {  	vm0 =	vmand vm14, vm15  }
0x87: {  	v2 =	vshll.u32 v44, $0x7;
	v1 =	vnsel vm0, $0x0, v1  }
0x88: {  	v2 =	vnsel vm0, $0x0, v2;
	v45 =	vand.u32 $0xFFFFFF80, v1  }
0x89: {  	v5 =	vand.u32 $0xFFFFFF80, v3;
	v1 =	vand.u32 $0x7F, v1;
	v4 =	vadd.s32 v2, v45  }
0x8a: {  	v3 =	vand.u32 $0x7F, v3;
	v2 =	vadd.s32 v5, v2;
	v1 =	vor.u32 v1, v4  }
0x8b: {  	v2 =	vor.u32 v3, v2;
	_ =	sdelay $0x3  }
0x8c: {  	[tilespmem:v1+s29+$0x0] =	vst.idx.add.s32.msk vm0, v43  }
0x8d: {  	[tilespmem:v2+s30+$0x0] =	vst.idx.add.s32.msk vm0, v43  }
0x8e: {  	v1 =	vld [tilespmem:$0x20]  }
0x8f: {  	v2 =	vld [tilespmem:$0xA0];
	_ =	sdelay $0x3  }
0x90: {  	v46 =	vld [tilespmem:$0x120]  }
0x91: {  	vm4 =	vlt.s32 v1, $0x20;
	vm5 =	vlt.s32 v2, $0x20  }
0x92: {  	vm0 =	vmand vm4, vm5  }
0x93: {  	v2 =	vshll.u32 v2, $0x7;
	v1 =	vnsel vm0, $0x0, v1  }
0x94: {  	v2 =	vnsel vm0, $0x0, v2;
	v47 =	vand.u32 $0xFFFFFF80, v1  }
0x95: {  	v48 =	vand.u32 $0xFFFFFF80, v46;
	v1 =	vand.u32 $0x7F, v1;
	v4 =	vadd.s32 v2, v47  }
0x96: {  	v3 =	vand.u32 $0x7F, v46;
	v2 =	vadd.s32 v48, v2;
	v1 =	vor.u32 v1, v4  }
0x97: {  	v2 =	vor.u32 v3, v2;
	_ =	sdelay $0x3  }
0x98: {  	[tilespmem:v1+s29+$0x0] =	vst.idx.add.s32.msk vm0, v43  }
0x99: {  	[tilespmem:v2+s30+$0x0] =	vst.idx.add.s32.msk vm0, v43  }
0x9a: {  	v1 =	vld [tilespmem:$0x30]  }
0x9b: {  	v2 =	vld [tilespmem:$0xB0];
	_ =	sdelay $0x3  }
0x9c: {  	v49 =	vld [tilespmem:$0x130]  }
0x9d: {  	vm6 =	vlt.s32 v1, $0x20;
	vm7 =	vlt.s32 v2, $0x20  }
0x9e: {  	vm0 =	vmand vm6, vm7  }
0x9f: {  	v2 =	vshll.u32 v2, $0x7;
	v1 =	vnsel vm0, $0x0, v1  }
0xa0: {  	v2 =	vnsel vm0, $0x0, v2;
	v50 =	vand.u32 $0xFFFFFF80, v1  }
0xa1: {  	v51 =	vand.u32 $0xFFFFFF80, v49;
	v1 =	vand.u32 $0x7F, v1;
	v4 =	vadd.s32 v2, v50  }
0xa2: {  	v3 =	vand.u32 $0x7F, v49;
	v2 =	vadd.s32 v51, v2;
	v1 =	vor.u32 v1, v4  }
0xa3: {  	v2 =	vor.u32 v3, v2;
	_ =	sdelay $0x3  }
0xa4: {  	[tilespmem:v1+s29+$0x0] =	vst.idx.add.s32.msk vm0, v43  }
0xa5: {  	[tilespmem:v2+s30+$0x0] =	vst.idx.add.s32.msk vm0, v43  }
0xa6: {  	v1 =	vld [tilespmem:$0x40]  }
0xa7: {  	v2 =	vld [tilespmem:$0xC0];
	_ =	sdelay $0x3  }
0xa8: {  	v52 =	vld [tilespmem:$0x140]  }
0xa9: {  	vm8 =	vlt.s32 v1, $0x20;
	vm9 =	vlt.s32 v2, $0x20  }
0xaa: {  	vm0 =	vmand vm8, vm9  }
0xab: {  	v2 =	vshll.u32 v2, $0x7;
	v1 =	vnsel vm0, $0x0, v1  }
0xac: {  	v2 =	vnsel vm0, $0x0, v2;
	v53 =	vand.u32 $0xFFFFFF80, v1  }
0xad: {  	v54 =	vand.u32 $0xFFFFFF80, v52;
	v1 =	vand.u32 $0x7F, v1;
	v4 =	vadd.s32 v2, v53  }
0xae: {  	v3 =	vand.u32 $0x7F, v52;
	v2 =	vadd.s32 v54, v2;
	v1 =	vor.u32 v1, v4  }
0xaf: {  	v2 =	vor.u32 v3, v2;
	_ =	sdelay $0x3  }
0xb0: {  	[tilespmem:v1+s29+$0x0] =	vst.idx.add.s32.msk vm0, v43  }
0xb1: {  	[tilespmem:v2+s30+$0x0] =	vst.idx.add.s32.msk vm0, v43  }
0xb2: {  	v1 =	vld [tilespmem:$0x50]  }
0xb3: {  	v2 =	vld [tilespmem:$0xD0];
	_ =	sdelay $0x3  }
0xb4: {  	v55 =	vld [tilespmem:$0x150]  }
0xb5: {  	vm10 =	vlt.s32 v1, $0x20;
	vm11 =	vlt.s32 v2, $0x20  }
0xb6: {  	vm0 =	vmand vm10, vm11  }
0xb7: {  	v2 =	vshll.u32 v2, $0x7;
	v1 =	vnsel vm0, $0x0, v1  }
0xb8: {  	v2 =	vnsel vm0, $0x0, v2;
	v56 =	vand.u32 $0xFFFFFF80, v1  }
0xb9: {  	v57 =	vand.u32 $0xFFFFFF80, v55;
	v1 =	vand.u32 $0x7F, v1;
	v4 =	vadd.s32 v2, v56  }
0xba: {  	v3 =	vand.u32 $0x7F, v55;
	v2 =	vadd.s32 v57, v2;
	v1 =	vor.u32 v1, v4  }
0xbb: {  	v2 =	vor.u32 v3, v2;
	_ =	sdelay $0x3  }
0xbc: {  	[tilespmem:v1+s29+$0x0] =	vst.idx.add.s32.msk vm0, v43  }
0xbd: {  	[tilespmem:v2+s30+$0x0] =	vst.idx.add.s32.msk vm0, v43  }
0xbe: {  	v1 =	vld [tilespmem:$0x60]  }
0xbf: {  	v2 =	vld [tilespmem:$0xE0];
	_ =	sdelay $0x3  }
0xc0: {  	v58 =	vld [tilespmem:$0x160]  }
0xc1: {  	vm12 =	vlt.s32 v1, $0x20;
	vm13 =	vlt.s32 v2, $0x20  }
0xc2: {  	vm0 =	vmand vm12, vm13  }
0xc3: {  	v2 =	vshll.u32 v2, $0x7;
	v1 =	vnsel vm0, $0x0, v1  }
0xc4: {  	v2 =	vnsel vm0, $0x0, v2;
	v59 =	vand.u32 $0xFFFFFF80, v1  }
0xc5: {  	v60 =	vand.u32 $0xFFFFFF80, v58;
	v1 =	vand.u32 $0x7F, v1;
	v4 =	vadd.s32 v2, v59  }
0xc6: {  	v3 =	vand.u32 $0x7F, v58;
	v2 =	vadd.s32 v60, v2;
	v1 =	vor.u32 v1, v4  }
0xc7: {  	v2 =	vor.u32 v3, v2;
	_ =	sdelay $0x3  }
0xc8: {  	[tilespmem:v1+s29+$0x0] =	vst.idx.add.s32.msk vm0, v43  }
0xc9: {  	[tilespmem:v2+s30+$0x0] =	vst.idx.add.s32.msk vm0, v43  }
0xca: {  	v1 =	vld [tilespmem:$0x70]  }
0xcb: {  	v2 =	vld [tilespmem:$0xF0];
	_ =	sdelay $0x3  }
0xcc: {  	v61 =	vld [tilespmem:$0x170]  }
0xcd: {  	vm14 =	vlt.s32 v1, $0x20;
	vm15 =	vlt.s32 v2, $0x20  }
0xce: {  	vm0 =	vmand vm14, vm15  }
0xcf: {  	v2 =	vshll.u32 v2, $0x7;
	v1 =	vnsel vm0, $0x0, v1  }
0xd0: {  	v2 =	vnsel vm0, $0x0, v2;
	v62 =	vand.u32 $0xFFFFFF80, v1  }
0xd1: {  	v63 =	vand.u32 $0xFFFFFF80, v61;
	v1 =	vand.u32 $0x7F, v1;
	v4 =	vadd.s32 v2, v62  }
0xd2: {  	v3 =	vand.u32 $0x7F, v61;
	v2 =	vadd.s32 v63, v2;
	v1 =	vor.u32 v1, v4  }
0xd3: {  	v2 =	vor.u32 v3, v2;
	_ =	sdelay $0x2  }
0xd4: {  	s31 =	sshll.u32 s1, $0x9  }
0xd5: {  	s3 =	sadd.s32 s31, s3;
	[tilespmem:v1+s29+$0x0] =	vst.idx.add.s32.msk vm0, v43  }
0xd6: {  	s7 =	sadd.s32 $0x2400, s3;
	[tilespmem:v2+s30+$0x0] =	vst.idx.add.s32.msk vm0, v43  }
0xd7: {  	[hbm4b:s7+s2] =	stream.linear.scatter [tilespmem:s29], [sflag:$0x1], $0x1000, $0x38;
	[tilespmem:$0x2180] =	vst v63  }
0xd8: {  	s3 =	sadd.s32 $0x4400, s3  }
0xd9: {  	[hbm4b:s3+s2] =	stream.linear.scatter [tilespmem:s30], [sflag:$0x1], $0x1000, $0x38;
	[tilespmem:$0x2180] =	vst v63  }
0xda: {  	_ =	swait.ge [sflag:s28], $0x1000  }
0xdb: {  	[sflag:s28] =	ssyncset.done $0x0  }
0xdc: {  	[sflag:s28] =	ssyncadd.s32 $0xFFFFF000  }
0xdd: {  	_ =	swait.ge [sflag:s28], $0x1000  }
0xde: {  	[sflag:s28] =	ssyncset.done $0x0  }
0xdf: {  	[sflag:s28] =	ssyncadd.s32 $0xFFFFF000  }
0xe0: {  	_ =	sfence.sel $0x180000  }
0xe1: {  	[bflag:$0x0] =	sbarrier.arrive $0xFFFF  }
0xe2: {  	p0 =	sne.s32 s1, $0x0;
	_ =	strace $0x90000047  }
0xe3: {  	s0 =	sadd.s32 @!p0 $0x100000, s0;
	[bflag:$0x2] =	sbarrier.arrive $0xFFFF  }
0xe4: {  	[sflag:s0] =	ssyncadd.tile.s32 @!p0 $0x1;
	_ =	shalt  }
.Lfunc_end2:
_tile_overlayer_lowered:
.L_overlay_start_2:
0xe5: {  	(tag) =	ssettag $0x2  }
0xe6: {  	s0 =	rddreg [dreg:$0x0];
	s2 =	stileid.u32  }
0xe7: {  	s1 =	rddreg [dreg:$0x1];
	p0 =	sne.s32 s2, $0x0  }
0xe8: {  	s3 =	rddreg [dreg:$0x2];
	[bflag:$0x3] =	sbarrier.arrive $0xFFFF;
	s2 =	simm.s32 @!p0 $0x1C02  }
0xe9: {  	[timem:s3], [sflag:s2] =	dma.local @!p0 [hbm:s0], s1  }
0xea: {  	s0 =	simm.s32 @!p0 $0x2  }
0xeb: {  	_ =	swait.ge @!p0 [sflag:s0], s1  }
0xec: {  	s1 =	ssub.s32 @!p0 $0x0, s1;
	[sflag:s0] =	ssyncset.done @!p0 $0x0  }
0xed: {  	[sflag:s0] =	ssyncadd.s32 @!p0 s1  }
0xee: {  	[bflag:$0x3] =	sbarrier.arrive $0xFFFF  }
0xef: {  	_ =	shalt  }

</sc_bundles>
